<compile_context>
chip_gen: v7x
topology: tpu7x:2x2x1
jax: 0.10.2.dev20260603
libtpu: 0.0.44.dev20260713+nightly
codegen_flags: <defaults>
</compile_context>

<pallas_src>
import functools

import jax
import jax.numpy as jnp
from jax import lax
from jax.experimental import pallas as pl
from jax.experimental.pallas import tpu as pltpu
from jax.experimental.pallas import tpu_sc as plsc

_PB = 41


def _gather_rows_sc(table, ids):
    (batch,) = ids.shape
    _, row_width = table.shape
    mesh = plsc.VectorSubcoreMesh(
        core_axis_name="c", subcore_axis_name="s", num_cores=1, num_subcores=1
    )

    @functools.partial(
        pl.kernel,
        mesh=mesh,
        out_type=jax.ShapeDtypeStruct((batch, row_width), jnp.float32),
        scratch_types=[
            pltpu.VMEM((batch,), jnp.int32),
            pltpu.VMEM((batch, row_width), jnp.float32),
            pltpu.SemaphoreType.DMA,
        ],
    )
    def gather_kernel(table_hbm, ids_hbm, out_hbm, idx_v, rows_v, sem):
        wid = lax.axis_index("s") * 2 + lax.axis_index("c")

        @pl.when(wid == 0)
        def _():
            pltpu.sync_copy(ids_hbm, idx_v)
            pltpu.async_copy(table_hbm.at[idx_v], rows_v, sem).wait()
            pltpu.sync_copy(rows_v, out_hbm)

    return gather_kernel(table, ids)


_NBUF = 8


def _add_body(g_ref, e_ref, h_hbm, o_hbm, ibuf, obuf, isem, osem):
    i = pl.program_id(0)
    n = pl.num_programs(0)
    slot = jax.lax.rem(i, _NBUF)
    bpb = 1025 // _PB

    @pl.when(i == 0)
    def _():
        for k in range(_NBUF):
            pltpu.make_async_copy(h_hbm.at[k], ibuf.at[k], isem.at[k]).start()

    pltpu.make_async_copy(h_hbm.at[i], ibuf.at[slot], isem.at[slot]).wait()

    @pl.when(i >= _NBUF)
    def _():
        pltpu.make_async_copy(obuf.at[slot], o_hbm.at[i], osem.at[slot]).wait()

    bi = i // bpb
    t = jnp.tanh(g_ref[...])
    for tile in range(4):
        et = e_ref[pl.ds(bi, 1), pl.ds(tile * 1280, 1280)]
        obuf[slot, :, tile, :] = ibuf[slot, :, tile, :] + t * et

    pltpu.make_async_copy(obuf.at[slot], o_hbm.at[i], osem.at[slot]).start()

    @pl.when(i + _NBUF < n)
    def _():
        pltpu.make_async_copy(
            h_hbm.at[i + _NBUF], ibuf.at[slot], isem.at[slot]
        ).start()

    @pl.when(i == n - 1)
    def _():
        for k in range(_NBUF):
            s = (n - _NBUF + k) % _NBUF
            pltpu.make_async_copy(obuf.at[s], o_hbm.at[0], osem.at[s]).wait()


def kernel(hidden_state, aspect_ratio_ids, embedding_table, gate):
    b, t, p, h = hidden_state.shape
    rows = _gather_rows_sc(embedding_table, aspect_ratio_ids)
    nblk = b * p // _PB
    hid = hidden_state.transpose(0, 2, 1, 3).reshape(nblk, _PB, t, h)
    g = gate.reshape(1, 1)
    out = pl.pallas_call(
        _add_body,
        grid=(nblk,),
        in_specs=[
            pl.BlockSpec((1, 1), lambda i: (0, 0)),
            pl.BlockSpec((b, t * h), lambda i: (0, 0)),
            pl.BlockSpec(memory_space=pltpu.MemorySpace.HBM),
        ],
        out_specs=pl.BlockSpec(memory_space=pltpu.MemorySpace.HBM),
        out_shape=jax.ShapeDtypeStruct((nblk, _PB, t, h), jnp.float32),
        scratch_shapes=[
            pltpu.VMEM((_NBUF, _PB, t, h), jnp.float32),
            pltpu.VMEM((_NBUF, _PB, t, h), jnp.float32),
            pltpu.SemaphoreType.DMA((_NBUF,)),
            pltpu.SemaphoreType.DMA((_NBUF,)),
        ],
    )(g, rows, hid)
    return out.reshape(b, p, t, h).transpose(0, 2, 1, 3)

# --- scband reference (transcript-rebuilt; emitter-appended) ---
"""Pipeline reference for scband-mllama-precomputed-aspect-ratio-embedding-9680856285235 (READ-ONLY COPY).

The authoritative reference and input builder live on the scoring server;
editing this copy changes nothing except your own understanding.
"""

import jax, jax.numpy as jnp
import numpy as np

MAX_NUM_TILES = 4
HIDDEN_SIZE = 1280
MAX_ASPECT_RATIO_ID = 8
NUM_PATCHES = 1025
BATCH = 8


def setup_inputs(seed: int = 0) -> dict:
    key = jax.random.key(seed)
    k1, k2, k3 = jax.random.split(key, 3)
    hidden_state = jax.random.normal(k1, (BATCH, MAX_NUM_TILES, NUM_PATCHES, HIDDEN_SIZE), dtype=jnp.float32)
    aspect_ratio_ids = jax.random.randint(k2, (BATCH,), 0, MAX_ASPECT_RATIO_ID + 1, dtype=jnp.int32)
    embedding_table = jax.random.normal(k3, (MAX_ASPECT_RATIO_ID + 1, MAX_NUM_TILES * HIDDEN_SIZE), dtype=jnp.float32) * 0.02
    # gate is a learned scalar (init zero in torch); use a nonzero trained-like value so the
    # gated path is active
    gate = jnp.full((1,), 0.5, dtype=jnp.float32)
    return {"hidden_state": hidden_state, "aspect_ratio_ids": aspect_ratio_ids, "embedding_table": embedding_table, "gate": gate}


def reference(hidden_state, aspect_ratio_ids, embedding_table, gate):
    # embedding lookup (gather rows of the table)
    embeddings = jnp.take(embedding_table, aspect_ratio_ids, axis=0)
    embeddings = embeddings.reshape(-1, MAX_NUM_TILES, 1, HIDDEN_SIZE)
    # gated: embeddings * gate.tanh()
    embeddings = embeddings * jnp.tanh(gate)
    # broadcast-add over the patch dimension
    return hidden_state + embeddings

if __name__ == "__main__":
    import jax
    _d = setup_inputs()
    print(jax.jit(kernel)(*tuple(_d.values())))

</pallas_src>

<mosaic_0001>
#map = affine_map<(d0, d1) -> (0, 0)>
#map1 = affine_map<(d0, d1) -> (0)>
module attributes {stable_mosaic.version = 14 : i64} {
  func.func @gather_kernel(%arg0: i32, %arg1: i32, %arg2: memref<9x5120xf32, #tpu.memory_space<hbm>>, %arg3: memref<8xi32, #tpu.memory_space<hbm>>, %arg4: memref<8x5120xf32, #tpu.memory_space<hbm>>, %arg5: memref<8xi32, #tpu.memory_space<vmem>>, %arg6: memref<8x5120xf32, #tpu.memory_space<vmem>>, %arg7: memref<!tpu.dma_semaphore, #tpu.memory_space<semaphore_mem>>) attributes {dimension_semantics = [#tpu.dimension_semantics<core_parallel>, #tpu.dimension_semantics<subcore_parallel>], iteration_bounds = array<i64: 1, 1>, scalar_prefetch = 0 : i64, scratch_operands = 3 : i64, tpu.core_type = #tpu.core_type<sc_vector_subcore>, window_params = [{transform_indices = #map}, {transform_indices = #map1}, {transform_indices = #map}]} {
    %mul3A = arith.constant 2 : i32
    %mul3A_0 = arith.muli %arg1, %mul3A : i32
    %add3A = arith.addi %mul3A_0, %arg0 : i32
    %eq3A = arith.constant 0 : i32
    %eq3A_1 = arith.cmpi eq, %add3A, %eq3A : i32
    %convert_element_type3A = arith.extui %eq3A_1 : i1 to i32
    %cond3A = arith.constant 0 : i32
    %cond3A_2 = arith.cmpi ne, %convert_element_type3A, %cond3A : i32
    scf.if %cond3A_2 {
      "tpu.region"() ({
        %run_scoped3A = tpu.sem_alloc : memref<!tpu.dma_semaphore, #tpu.memory_space<semaphore_mem>>
        tpu.enqueue_dma source(%arg3 : memref<8xi32, #tpu.memory_space<hbm>>) target(%arg5 : memref<8xi32, #tpu.memory_space<vmem>>) target_semaphore(%run_scoped3A : memref<!tpu.dma_semaphore, #tpu.memory_space<semaphore_mem>>)
        tpu.wait_dma2 semaphore(%run_scoped3A : memref<!tpu.dma_semaphore, #tpu.memory_space<semaphore_mem>>) src(%arg3 : memref<8xi32, #tpu.memory_space<hbm>>) dst(%arg5 : memref<8xi32, #tpu.memory_space<vmem>>)
        tpu.yield
      }) : () -> ()
      %dma_start3A = arith.constant 0 : i32
      %dma_start3A_3 = arith.constant 0 : i32
      %dma_start3A_4 = tpu.memref_slice %arg2[%dma_start3A, %dma_start3A_3] : memref<9x5120xf32, #tpu.memory_space<hbm>> -> memref<9x5120xf32, #tpu.memory_space<hbm>>
      tpu.enqueue_indirect_dma source(%dma_start3A_4 : memref<9x5120xf32, #tpu.memory_space<hbm>>) target(%arg6 : memref<8x5120xf32, #tpu.memory_space<vmem>>) offsets(%arg5 : memref<8xi32, #tpu.memory_space<vmem>>) semaphore(%arg7 : memref<!tpu.dma_semaphore, #tpu.memory_space<semaphore_mem>>)
      %dma_wait3A = arith.constant 0 : i32
      %dma_wait3A_5 = arith.constant 0 : i32
      %dma_wait3A_6 = tpu.memref_slice %arg2[%dma_wait3A, %dma_wait3A_5] : memref<9x5120xf32, #tpu.memory_space<hbm>> -> memref<9x5120xf32, #tpu.memory_space<hbm>>
      tpu.wait_indirect_dma semaphore(%arg7 : memref<!tpu.dma_semaphore, #tpu.memory_space<semaphore_mem>>) src(%dma_wait3A_6 : memref<9x5120xf32, #tpu.memory_space<hbm>>) dst(%arg6 : memref<8x5120xf32, #tpu.memory_space<vmem>>)
      "tpu.region"() ({
        %run_scoped3A = tpu.sem_alloc : memref<!tpu.dma_semaphore, #tpu.memory_space<semaphore_mem>>
        tpu.enqueue_dma source(%arg6 : memref<8x5120xf32, #tpu.memory_space<vmem>>) target(%arg4 : memref<8x5120xf32, #tpu.memory_space<hbm>>) target_semaphore(%run_scoped3A : memref<!tpu.dma_semaphore, #tpu.memory_space<semaphore_mem>>)
        tpu.wait_dma2 semaphore(%run_scoped3A : memref<!tpu.dma_semaphore, #tpu.memory_space<semaphore_mem>>) src(%arg6 : memref<8x5120xf32, #tpu.memory_space<vmem>>) dst(%arg4 : memref<8x5120xf32, #tpu.memory_space<hbm>>)
        tpu.yield
      }) : () -> ()
    } else {
    }
    return
  }
}

module attributes {stable_mosaic.version = 14 : i64} {
  func.func @_add_body(%arg0: i32, %arg1: memref<1x1xf32, #tpu.memory_space<vmem>>, %arg2: memref<8x5120xf32, #tpu.memory_space<vmem>>, %arg3: memref<200x41x4x1280xf32, #tpu.memory_space<hbm>>, %arg4: memref<200x41x4x1280xf32, #tpu.memory_space<hbm>>, %arg5: memref<8x41x4x1280xf32, #tpu.memory_space<vmem>>, %arg6: memref<8x41x4x1280xf32, #tpu.memory_space<vmem>>, %arg7: memref<8x!tpu.dma_semaphore, #tpu.memory_space<semaphore_mem>>, %arg8: memref<8x!tpu.dma_semaphore, #tpu.memory_space<semaphore_mem>>) attributes {dimension_semantics = [#tpu.dimension_semantics<arbitrary>], iteration_bounds = array<i64: 200>, scalar_prefetch = 0 : i64, scratch_operands = 4 : i64, tpu.core_type = #tpu.core_type<tc>, window_params = [{pipeline_mode = #tpu.pipeline_mode<synchronous>, transform_indices = @transform_0, window_bounds = array<i64: 1, 1>}, {pipeline_mode = #tpu.pipeline_mode<synchronous>, transform_indices = @transform_1, window_bounds = array<i64: 8, 5120>}, {}, {}]} {
    %rem3A = arith.constant 8 : i32
    %rem3A_0 = arith.remsi %arg0, %rem3A : i32
    %eq3A = arith.constant 0 : i32
    %eq3A_1 = arith.cmpi eq, %arg0, %eq3A : i32
    %convert_element_type3A = arith.extui %eq3A_1 : i1 to i32
    %cond3A = arith.constant 0 : i32
    %cond3A_2 = arith.cmpi ne, %convert_element_type3A, %cond3A : i32
    scf.if %cond3A_2 {
      %dma_start3A_136 = arith.constant 0 : i32
      %dma_start3A_137 = arith.constant 0 : i32
      %dma_start3A_138 = arith.constant 0 : i32
      %dma_start3A_139 = tpu.memref_slice %arg7[%dma_start3A_138] : memref<8x!tpu.dma_semaphore, #tpu.memory_space<semaphore_mem>> -> memref<1x!tpu.dma_semaphore, #tpu.memory_space<semaphore_mem>>
      %dma_start3A_140 = tpu.memref_squeeze %dma_start3A_139 : memref<1x!tpu.dma_semaphore, #tpu.memory_space<semaphore_mem>> -> memref<!tpu.dma_semaphore, #tpu.memory_space<semaphore_mem>>
      %dma_start3A_141 = arith.constant 0 : i32
      %dma_start3A_142 = arith.constant 0 : i32
      %dma_start3A_143 = arith.constant 0 : i32
      %dma_start3A_144 = tpu.memref_slice %arg5[%dma_start3A_137, %dma_start3A_141, %dma_start3A_142, %dma_start3A_143] : memref<8x41x4x1280xf32, #tpu.memory_space<vmem>> -> memref<1x41x4x1280xf32, #tpu.memory_space<vmem>>
      %dma_start3A_145 = tpu.memref_squeeze %dma_start3A_144 : memref<1x41x4x1280xf32, #tpu.memory_space<vmem>> -> memref<41x4x1280xf32, #tpu.memory_space<vmem>>
      %dma_start3A_146 = arith.constant 0 : i32
      %dma_start3A_147 = arith.constant 0 : i32
      %dma_start3A_148 = arith.constant 0 : i32
      %dma_start3A_149 = tpu.memref_slice %arg3[%dma_start3A_136, %dma_start3A_146, %dma_start3A_147, %dma_start3A_148] : memref<200x41x4x1280xf32, #tpu.memory_space<hbm>> -> memref<1x41x4x1280xf32, #tpu.memory_space<hbm>>
      %dma_start3A_150 = tpu.memref_squeeze %dma_start3A_149 : memref<1x41x4x1280xf32, #tpu.memory_space<hbm>> -> memref<41x4x1280xf32, #tpu.memory_space<hbm>>
      tpu.enqueue_dma source(%dma_start3A_150 : memref<41x4x1280xf32, #tpu.memory_space<hbm>>) target(%dma_start3A_145 : memref<41x4x1280xf32, #tpu.memory_space<vmem>>) target_semaphore(%dma_start3A_140 : memref<!tpu.dma_semaphore, #tpu.memory_space<semaphore_mem>>)
      %dma_start3A_151 = arith.constant 1 : i32
      %dma_start3A_152 = arith.constant 1 : i32
      %dma_start3A_153 = arith.constant 1 : i32
      %dma_start3A_154 = tpu.memref_slice %arg7[%dma_start3A_153] : memref<8x!tpu.dma_semaphore, #tpu.memory_space<semaphore_mem>> -> memref<1x!tpu.dma_semaphore, #tpu.memory_space<semaphore_mem>>
      %dma_start3A_155 = tpu.memref_squeeze %dma_start3A_154 : memref<1x!tpu.dma_semaphore, #tpu.memory_space<semaphore_mem>> -> memref<!tpu.dma_semaphore, #tpu.memory_space<semaphore_mem>>
      %dma_start3A_156 = arith.constant 0 : i32
      %dma_start3A_157 = arith.constant 0 : i32
      %dma_start3A_158 = arith.constant 0 : i32
      %dma_start3A_159 = tpu.memref_slice %arg5[%dma_start3A_152, %dma_start3A_156, %dma_start3A_157, %dma_start3A_158] : memref<8x41x4x1280xf32, #tpu.memory_space<vmem>> -> memref<1x41x4x1280xf32, #tpu.memory_space<vmem>>
      %dma_start3A_160 = tpu.memref_squeeze %dma_start3A_159 : memref<1x41x4x1280xf32, #tpu.memory_space<vmem>> -> memref<41x4x1280xf32, #tpu.memory_space<vmem>>
      %dma_start3A_161 = arith.constant 0 : i32
      %dma_start3A_162 = arith.constant 0 : i32
      %dma_start3A_163 = arith.constant 0 : i32
      %dma_start3A_164 = tpu.memref_slice %arg3[%dma_start3A_151, %dma_start3A_161, %dma_start3A_162, %dma_start3A_163] : memref<200x41x4x1280xf32, #tpu.memory_space<hbm>> -> memref<1x41x4x1280xf32, #tpu.memory_space<hbm>>
      %dma_start3A_165 = tpu.memref_squeeze %dma_start3A_164 : memref<1x41x4x1280xf32, #tpu.memory_space<hbm>> -> memref<41x4x1280xf32, #tpu.memory_space<hbm>>
      tpu.enqueue_dma source(%dma_start3A_165 : memref<41x4x1280xf32, #tpu.memory_space<hbm>>) target(%dma_start3A_160 : memref<41x4x1280xf32, #tpu.memory_space<vmem>>) target_semaphore(%dma_start3A_155 : memref<!tpu.dma_semaphore, #tpu.memory_space<semaphore_mem>>)
      %dma_start3A_166 = arith.constant 2 : i32
      %dma_start3A_167 = arith.constant 2 : i32
      %dma_start3A_168 = arith.constant 2 : i32
      %dma_start3A_169 = tpu.memref_slice %arg7[%dma_start3A_168] : memref<8x!tpu.dma_semaphore, #tpu.memory_space<semaphore_mem>> -> memref<1x!tpu.dma_semaphore, #tpu.memory_space<semaphore_mem>>
      %dma_start3A_170 = tpu.memref_squeeze %dma_start3A_169 : memref<1x!tpu.dma_semaphore, #tpu.memory_space<semaphore_mem>> -> memref<!tpu.dma_semaphore, #tpu.memory_space<semaphore_mem>>
      %dma_start3A_171 = arith.constant 0 : i32
      %dma_start3A_172 = arith.constant 0 : i32
      %dma_start3A_173 = arith.constant 0 : i32
      %dma_start3A_174 = tpu.memref_slice %arg5[%dma_start3A_167, %dma_start3A_171, %dma_start3A_172, %dma_start3A_173] : memref<8x41x4x1280xf32, #tpu.memory_space<vmem>> -> memref<1x41x4x1280xf32, #tpu.memory_space<vmem>>
      %dma_start3A_175 = tpu.memref_squeeze %dma_start3A_174 : memref<1x41x4x1280xf32, #tpu.memory_space<vmem>> -> memref<41x4x1280xf32, #tpu.memory_space<vmem>>
      %dma_start3A_176 = arith.constant 0 : i32
      %dma_start3A_177 = arith.constant 0 : i32
      %dma_start3A_178 = arith.constant 0 : i32
      %dma_start3A_179 = tpu.memref_slice %arg3[%dma_start3A_166, %dma_start3A_176, %dma_start3A_177, %dma_start3A_178] : memref<200x41x4x1280xf32, #tpu.memory_space<hbm>> -> memref<1x41x4x1280xf32, #tpu.memory_space<hbm>>
      %dma_start3A_180 = tpu.memref_squeeze %dma_start3A_179 : memref<1x41x4x1280xf32, #tpu.memory_space<hbm>> -> memref<41x4x1280xf32, #tpu.memory_space<hbm>>
      tpu.enqueue_dma source(%dma_start3A_180 : memref<41x4x1280xf32, #tpu.memory_space<hbm>>) target(%dma_start3A_175 : memref<41x4x1280xf32, #tpu.memory_space<vmem>>) target_semaphore(%dma_start3A_170 : memref<!tpu.dma_semaphore, #tpu.memory_space<semaphore_mem>>)
      %dma_start3A_181 = arith.constant 3 : i32
      %dma_start3A_182 = arith.constant 3 : i32
      %dma_start3A_183 = arith.constant 3 : i32
      %dma_start3A_184 = tpu.memref_slice %arg7[%dma_start3A_183] : memref<8x!tpu.dma_semaphore, #tpu.memory_space<semaphore_mem>> -> memref<1x!tpu.dma_semaphore, #tpu.memory_space<semaphore_mem>>
      %dma_start3A_185 = tpu.memref_squeeze %dma_start3A_184 : memref<1x!tpu.dma_semaphore, #tpu.memory_space<semaphore_mem>> -> memref<!tpu.dma_semaphore, #tpu.memory_space<semaphore_mem>>
      %dma_start3A_186 = arith.constant 0 : i32
      %dma_start3A_187 = arith.constant 0 : i32
      %dma_start3A_188 = arith.constant 0 : i32
      %dma_start3A_189 = tpu.memref_slice %arg5[%dma_start3A_182, %dma_start3A_186, %dma_start3A_187, %dma_start3A_188] : memref<8x41x4x1280xf32, #tpu.memory_space<vmem>> -> memref<1x41x4x1280xf32, #tpu.memory_space<vmem>>
      %dma_start3A_190 = tpu.memref_squeeze %dma_start3A_189 : memref<1x41x4x1280xf32, #tpu.memory_space<vmem>> -> memref<41x4x1280xf32, #tpu.memory_space<vmem>>
      %dma_start3A_191 = arith.constant 0 : i32
      %dma_start3A_192 = arith.constant 0 : i32
      %dma_start3A_193 = arith.constant 0 : i32
      %dma_start3A_194 = tpu.memref_slice %arg3[%dma_start3A_181, %dma_start3A_191, %dma_start3A_192, %dma_start3A_193] : memref<200x41x4x1280xf32, #tpu.memory_space<hbm>> -> memref<1x41x4x1280xf32, #tpu.memory_space<hbm>>
      %dma_start3A_195 = tpu.memref_squeeze %dma_start3A_194 : memref<1x41x4x1280xf32, #tpu.memory_space<hbm>> -> memref<41x4x1280xf32, #tpu.memory_space<hbm>>
      tpu.enqueue_dma source(%dma_start3A_195 : memref<41x4x1280xf32, #tpu.memory_space<hbm>>) target(%dma_start3A_190 : memref<41x4x1280xf32, #tpu.memory_space<vmem>>) target_semaphore(%dma_start3A_185 : memref<!tpu.dma_semaphore, #tpu.memory_space<semaphore_mem>>)
      %dma_start3A_196 = arith.constant 4 : i32
      %dma_start3A_197 = arith.constant 4 : i32
      %dma_start3A_198 = arith.constant 4 : i32
      %dma_start3A_199 = tpu.memref_slice %arg7[%dma_start3A_198] : memref<8x!tpu.dma_semaphore, #tpu.memory_space<semaphore_mem>> -> memref<1x!tpu.dma_semaphore, #tpu.memory_space<semaphore_mem>>
      %dma_start3A_200 = tpu.memref_squeeze %dma_start3A_199 : memref<1x!tpu.dma_semaphore, #tpu.memory_space<semaphore_mem>> -> memref<!tpu.dma_semaphore, #tpu.memory_space<semaphore_mem>>
      %dma_start3A_201 = arith.constant 0 : i32
      %dma_start3A_202 = arith.constant 0 : i32
      %dma_start3A_203 = arith.constant 0 : i32
      %dma_start3A_204 = tpu.memref_slice %arg5[%dma_start3A_197, %dma_start3A_201, %dma_start3A_202, %dma_start3A_203] : memref<8x41x4x1280xf32, #tpu.memory_space<vmem>> -> memref<1x41x4x1280xf32, #tpu.memory_space<vmem>>
      %dma_start3A_205 = tpu.memref_squeeze %dma_start3A_204 : memref<1x41x4x1280xf32, #tpu.memory_space<vmem>> -> memref<41x4x1280xf32, #tpu.memory_space<vmem>>
      %dma_start3A_206 = arith.constant 0 : i32
      %dma_start3A_207 = arith.constant 0 : i32
      %dma_start3A_208 = arith.constant 0 : i32
      %dma_start3A_209 = tpu.memref_slice %arg3[%dma_start3A_196, %dma_start3A_206, %dma_start3A_207, %dma_start3A_208] : memref<200x41x4x1280xf32, #tpu.memory_space<hbm>> -> memref<1x41x4x1280xf32, #tpu.memory_space<hbm>>
      %dma_start3A_210 = tpu.memref_squeeze %dma_start3A_209 : memref<1x41x4x1280xf32, #tpu.memory_space<hbm>> -> memref<41x4x1280xf32, #tpu.memory_space<hbm>>
      tpu.enqueue_dma source(%dma_start3A_210 : memref<41x4x1280xf32, #tpu.memory_space<hbm>>) target(%dma_start3A_205 : memref<41x4x1280xf32, #tpu.memory_space<vmem>>) target_semaphore(%dma_start3A_200 : memref<!tpu.dma_semaphore, #tpu.memory_space<semaphore_mem>>)
      %dma_start3A_211 = arith.constant 5 : i32
      %dma_start3A_212 = arith.constant 5 : i32
      %dma_start3A_213 = arith.constant 5 : i32
      %dma_start3A_214 = tpu.memref_slice %arg7[%dma_start3A_213] : memref<8x!tpu.dma_semaphore, #tpu.memory_space<semaphore_mem>> -> memref<1x!tpu.dma_semaphore, #tpu.memory_space<semaphore_mem>>
      %dma_start3A_215 = tpu.memref_squeeze %dma_start3A_214 : memref<1x!tpu.dma_semaphore, #tpu.memory_space<semaphore_mem>> -> memref<!tpu.dma_semaphore, #tpu.memory_space<semaphore_mem>>
      %dma_start3A_216 = arith.constant 0 : i32
      %dma_start3A_217 = arith.constant 0 : i32
      %dma_start3A_218 = arith.constant 0 : i32
      %dma_start3A_219 = tpu.memref_slice %arg5[%dma_start3A_212, %dma_start3A_216, %dma_start3A_217, %dma_start3A_218] : memref<8x41x4x1280xf32, #tpu.memory_space<vmem>> -> memref<1x41x4x1280xf32, #tpu.memory_space<vmem>>
      %dma_start3A_220 = tpu.memref_squeeze %dma_start3A_219 : memref<1x41x4x1280xf32, #tpu.memory_space<vmem>> -> memref<41x4x1280xf32, #tpu.memory_space<vmem>>
      %dma_start3A_221 = arith.constant 0 : i32
      %dma_start3A_222 = arith.constant 0 : i32
      %dma_start3A_223 = arith.constant 0 : i32
      %dma_start3A_224 = tpu.memref_slice %arg3[%dma_start3A_211, %dma_start3A_221, %dma_start3A_222, %dma_start3A_223] : memref<200x41x4x1280xf32, #tpu.memory_space<hbm>> -> memref<1x41x4x1280xf32, #tpu.memory_space<hbm>>
      %dma_start3A_225 = tpu.memref_squeeze %dma_start3A_224 : memref<1x41x4x1280xf32, #tpu.memory_space<hbm>> -> memref<41x4x1280xf32, #tpu.memory_space<hbm>>
      tpu.enqueue_dma source(%dma_start3A_225 : memref<41x4x1280xf32, #tpu.memory_space<hbm>>) target(%dma_start3A_220 : memref<41x4x1280xf32, #tpu.memory_space<vmem>>) target_semaphore(%dma_start3A_215 : memref<!tpu.dma_semaphore, #tpu.memory_space<semaphore_mem>>)
      %dma_start3A_226 = arith.constant 6 : i32
      %dma_start3A_227 = arith.constant 6 : i32
      %dma_start3A_228 = arith.constant 6 : i32
      %dma_start3A_229 = tpu.memref_slice %arg7[%dma_start3A_228] : memref<8x!tpu.dma_semaphore, #tpu.memory_space<semaphore_mem>> -> memref<1x!tpu.dma_semaphore, #tpu.memory_space<semaphore_mem>>
      %dma_start3A_230 = tpu.memref_squeeze %dma_start3A_229 : memref<1x!tpu.dma_semaphore, #tpu.memory_space<semaphore_mem>> -> memref<!tpu.dma_semaphore, #tpu.memory_space<semaphore_mem>>
      %dma_start3A_231 = arith.constant 0 : i32
      %dma_start3A_232 = arith.constant 0 : i32
      %dma_start3A_233 = arith.constant 0 : i32
      %dma_start3A_234 = tpu.memref_slice %arg5[%dma_start3A_227, %dma_start3A_231, %dma_start3A_232, %dma_start3A_233] : memref<8x41x4x1280xf32, #tpu.memory_space<vmem>> -> memref<1x41x4x1280xf32, #tpu.memory_space<vmem>>
      %dma_start3A_235 = tpu.memref_squeeze %dma_start3A_234 : memref<1x41x4x1280xf32, #tpu.memory_space<vmem>> -> memref<41x4x1280xf32, #tpu.memory_space<vmem>>
      %dma_start3A_236 = arith.constant 0 : i32
      %dma_start3A_237 = arith.constant 0 : i32
      %dma_start3A_238 = arith.constant 0 : i32
      %dma_start3A_239 = tpu.memref_slice %arg3[%dma_start3A_226, %dma_start3A_236, %dma_start3A_237, %dma_start3A_238] : memref<200x41x4x1280xf32, #tpu.memory_space<hbm>> -> memref<1x41x4x1280xf32, #tpu.memory_space<hbm>>
      %dma_start3A_240 = tpu.memref_squeeze %dma_start3A_239 : memref<1x41x4x1280xf32, #tpu.memory_space<hbm>> -> memref<41x4x1280xf32, #tpu.memory_space<hbm>>
      tpu.enqueue_dma source(%dma_start3A_240 : memref<41x4x1280xf32, #tpu.memory_space<hbm>>) target(%dma_start3A_235 : memref<41x4x1280xf32, #tpu.memory_space<vmem>>) target_semaphore(%dma_start3A_230 : memref<!tpu.dma_semaphore, #tpu.memory_space<semaphore_mem>>)
      %dma_start3A_241 = arith.constant 7 : i32
      %dma_start3A_242 = arith.constant 7 : i32
      %dma_start3A_243 = arith.constant 7 : i32
      %dma_start3A_244 = tpu.memref_slice %arg7[%dma_start3A_243] : memref<8x!tpu.dma_semaphore, #tpu.memory_space<semaphore_mem>> -> memref<1x!tpu.dma_semaphore, #tpu.memory_space<semaphore_mem>>
      %dma_start3A_245 = tpu.memref_squeeze %dma_start3A_244 : memref<1x!tpu.dma_semaphore, #tpu.memory_space<semaphore_mem>> -> memref<!tpu.dma_semaphore, #tpu.memory_space<semaphore_mem>>
      %dma_start3A_246 = arith.constant 0 : i32
      %dma_start3A_247 = arith.constant 0 : i32
      %dma_start3A_248 = arith.constant 0 : i32
      %dma_start3A_249 = tpu.memref_slice %arg5[%dma_start3A_242, %dma_start3A_246, %dma_start3A_247, %dma_start3A_248] : memref<8x41x4x1280xf32, #tpu.memory_space<vmem>> -> memref<1x41x4x1280xf32, #tpu.memory_space<vmem>>
      %dma_start3A_250 = tpu.memref_squeeze %dma_start3A_249 : memref<1x41x4x1280xf32, #tpu.memory_space<vmem>> -> memref<41x4x1280xf32, #tpu.memory_space<vmem>>
      %dma_start3A_251 = arith.constant 0 : i32
      %dma_start3A_252 = arith.constant 0 : i32
      %dma_start3A_253 = arith.constant 0 : i32
      %dma_start3A_254 = tpu.memref_slice %arg3[%dma_start3A_241, %dma_start3A_251, %dma_start3A_252, %dma_start3A_253] : memref<200x41x4x1280xf32, #tpu.memory_space<hbm>> -> memref<1x41x4x1280xf32, #tpu.memory_space<hbm>>
      %dma_start3A_255 = tpu.memref_squeeze %dma_start3A_254 : memref<1x41x4x1280xf32, #tpu.memory_space<hbm>> -> memref<41x4x1280xf32, #tpu.memory_space<hbm>>
      tpu.enqueue_dma source(%dma_start3A_255 : memref<41x4x1280xf32, #tpu.memory_space<hbm>>) target(%dma_start3A_250 : memref<41x4x1280xf32, #tpu.memory_space<vmem>>) target_semaphore(%dma_start3A_245 : memref<!tpu.dma_semaphore, #tpu.memory_space<semaphore_mem>>)
    } else {
    }
    %dma_wait3A = tpu.memref_slice %arg7[%rem3A_0] : memref<8x!tpu.dma_semaphore, #tpu.memory_space<semaphore_mem>> -> memref<1x!tpu.dma_semaphore, #tpu.memory_space<semaphore_mem>>
    %dma_wait3A_3 = tpu.memref_squeeze %dma_wait3A : memref<1x!tpu.dma_semaphore, #tpu.memory_space<semaphore_mem>> -> memref<!tpu.dma_semaphore, #tpu.memory_space<semaphore_mem>>
    %dma_wait3A_4 = arith.constant 0 : i32
    %dma_wait3A_5 = arith.constant 0 : i32
    %dma_wait3A_6 = arith.constant 0 : i32
    %dma_wait3A_7 = tpu.memref_slice %arg5[%rem3A_0, %dma_wait3A_4, %dma_wait3A_5, %dma_wait3A_6] : memref<8x41x4x1280xf32, #tpu.memory_space<vmem>> -> memref<1x41x4x1280xf32, #tpu.memory_space<vmem>>
    %dma_wait3A_8 = tpu.memref_squeeze %dma_wait3A_7 : memref<1x41x4x1280xf32, #tpu.memory_space<vmem>> -> memref<41x4x1280xf32, #tpu.memory_space<vmem>>
    %dma_wait3A_9 = arith.constant 0 : i32
    %dma_wait3A_10 = arith.constant 0 : i32
    %dma_wait3A_11 = arith.constant 0 : i32
    %dma_wait3A_12 = tpu.memref_slice %arg3[%arg0, %dma_wait3A_9, %dma_wait3A_10, %dma_wait3A_11] : memref<200x41x4x1280xf32, #tpu.memory_space<hbm>> -> memref<1x41x4x1280xf32, #tpu.memory_space<hbm>>
    %dma_wait3A_13 = tpu.memref_squeeze %dma_wait3A_12 : memref<1x41x4x1280xf32, #tpu.memory_space<hbm>> -> memref<41x4x1280xf32, #tpu.memory_space<hbm>>
    tpu.wait_dma2 semaphore(%dma_wait3A_3 : memref<!tpu.dma_semaphore, #tpu.memory_space<semaphore_mem>>) src(%dma_wait3A_13 : memref<41x4x1280xf32, #tpu.memory_space<hbm>>) dst(%dma_wait3A_8 : memref<41x4x1280xf32, #tpu.memory_space<vmem>>)
    %ge3A = arith.constant 8 : i32
    %ge3A_14 = arith.cmpi sge, %arg0, %ge3A : i32
    %convert_element_type3A_15 = arith.extui %ge3A_14 : i1 to i32
    %cond3A_16 = arith.constant 0 : i32
    %cond3A_17 = arith.cmpi ne, %convert_element_type3A_15, %cond3A_16 : i32
    scf.if %cond3A_17 {
      %dma_wait3A_136 = tpu.memref_slice %arg8[%rem3A_0] : memref<8x!tpu.dma_semaphore, #tpu.memory_space<semaphore_mem>> -> memref<1x!tpu.dma_semaphore, #tpu.memory_space<semaphore_mem>>
      %dma_wait3A_137 = tpu.memref_squeeze %dma_wait3A_136 : memref<1x!tpu.dma_semaphore, #tpu.memory_space<semaphore_mem>> -> memref<!tpu.dma_semaphore, #tpu.memory_space<semaphore_mem>>
      %dma_wait3A_138 = arith.constant 0 : i32
      %dma_wait3A_139 = arith.constant 0 : i32
      %dma_wait3A_140 = arith.constant 0 : i32
      %dma_wait3A_141 = tpu.memref_slice %arg4[%arg0, %dma_wait3A_138, %dma_wait3A_139, %dma_wait3A_140] : memref<200x41x4x1280xf32, #tpu.memory_space<hbm>> -> memref<1x41x4x1280xf32, #tpu.memory_space<hbm>>
      %dma_wait3A_142 = tpu.memref_squeeze %dma_wait3A_141 : memref<1x41x4x1280xf32, #tpu.memory_space<hbm>> -> memref<41x4x1280xf32, #tpu.memory_space<hbm>>
      %dma_wait3A_143 = arith.constant 0 : i32
      %dma_wait3A_144 = arith.constant 0 : i32
      %dma_wait3A_145 = arith.constant 0 : i32
      %dma_wait3A_146 = tpu.memref_slice %arg6[%rem3A_0, %dma_wait3A_143, %dma_wait3A_144, %dma_wait3A_145] : memref<8x41x4x1280xf32, #tpu.memory_space<vmem>> -> memref<1x41x4x1280xf32, #tpu.memory_space<vmem>>
      %dma_wait3A_147 = tpu.memref_squeeze %dma_wait3A_146 : memref<1x41x4x1280xf32, #tpu.memory_space<vmem>> -> memref<41x4x1280xf32, #tpu.memory_space<vmem>>
      tpu.wait_dma2 semaphore(%dma_wait3A_137 : memref<!tpu.dma_semaphore, #tpu.memory_space<semaphore_mem>>) src(%dma_wait3A_147 : memref<41x4x1280xf32, #tpu.memory_space<vmem>>) dst(%dma_wait3A_142 : memref<41x4x1280xf32, #tpu.memory_space<hbm>>)
    } else {
    }
    %jit3A = arith.constant 25 : i32
    %div3A = arith.divsi %arg0, %jit3A : i32
    %sign3A = arith.constant 0 : i32
    %sign3A_18 = arith.cmpi sgt, %arg0, %sign3A : i32
    %sign3A_19 = arith.extui %sign3A_18 : i1 to i32
    %sign3A_20 = arith.constant 0 : i32
    %sign3A_21 = arith.cmpi slt, %arg0, %sign3A_20 : i32
    %sign3A_22 = arith.extui %sign3A_21 : i1 to i32
    %sign3A_23 = arith.subi %sign3A_19, %sign3A_22 : i32
    %sign3A_24 = arith.constant 0 : i32
    %sign3A_25 = arith.cmpi sgt, %jit3A, %sign3A_24 : i32
    %sign3A_26 = arith.extui %sign3A_25 : i1 to i32
    %sign3A_27 = arith.constant 0 : i32
    %sign3A_28 = arith.cmpi slt, %jit3A, %sign3A_27 : i32
    %sign3A_29 = arith.extui %sign3A_28 : i1 to i32
    %sign3A_30 = arith.subi %sign3A_26, %sign3A_29 : i32
    %ne3A = arith.cmpi ne, %sign3A_23, %sign3A_30 : i32
    %rem3A_31 = arith.remsi %arg0, %jit3A : i32
    %ne3A_32 = arith.constant 0 : i32
    %ne3A_33 = arith.cmpi ne, %rem3A_31, %ne3A_32 : i32
    %and3A = arith.andi %ne3A, %ne3A_33 : i1
    %sub3A = arith.constant 1 : i32
    %sub3A_34 = arith.subi %div3A, %sub3A : i32
    %select_n3A = arith.select %and3A, %sub3A_34, %div3A : i32
    %get3A = arith.constant 0 : index
    %get3A_35 = arith.constant 0 : index
    %get3A_36 = vector.load %arg1[%get3A, %get3A_35] : memref<1x1xf32, #tpu.memory_space<vmem>>, vector<1x1xf32>
    %tanh3A = math.tanh %get3A_36 : vector<1x1xf32>
    %get3A_37 = arith.index_cast %select_n3A : i32 to index
    %get3A_38 = arith.constant 0 : index
    %get3A_39 = vector.load %arg2[%get3A_37, %get3A_38] : memref<8x5120xf32, #tpu.memory_space<vmem>>, vector<1x1280xf32>
    %get3A_40 = arith.index_cast %rem3A_0 : i32 to index
    %get3A_41 = arith.constant 0 : index
    %get3A_42 = arith.constant 0 : index
    %get3A_43 = arith.constant 0 : index
    %get3A_44 = vector.load %arg5[%get3A_40, %get3A_41, %get3A_42, %get3A_43] : memref<8x41x4x1280xf32, #tpu.memory_space<vmem>>, vector<1x41x1x1280xf32>
    %get3A_45 = vector.shape_cast %get3A_44 : vector<1x41x1x1280xf32> to vector<41x1280xf32>
    %mul3A = vector.broadcast %tanh3A : vector<1x1xf32> to vector<1x1280xf32>
    %mul3A_46 = arith.mulf %mul3A, %get3A_39 : vector<1x1280xf32>
    %add3A = vector.broadcast %mul3A_46 : vector<1x1280xf32> to vector<41x1280xf32>
    %add3A_47 = arith.addf %get3A_45, %add3A : vector<41x1280xf32>
    %swap3A = arith.index_cast %rem3A_0 : i32 to index
    %swap3A_48 = arith.constant 0 : index
    %swap3A_49 = arith.constant 0 : index
    %swap3A_50 = arith.constant 0 : index
    %swap3A_51 = vector.load %arg6[%swap3A, %swap3A_48, %swap3A_49, %swap3A_50] : memref<8x41x4x1280xf32, #tpu.memory_space<vmem>>, vector<1x41x1x1280xf32>
    %swap3A_52 = vector.shape_cast %swap3A_51 : vector<1x41x1x1280xf32> to vector<41x1280xf32>
    %swap3A_53 = vector.shape_cast %add3A_47 : vector<41x1280xf32> to vector<1x41x1x1280xf32>
    tpu.vector_store %arg6[%swap3A, %swap3A_48, %swap3A_49, %swap3A_50], %swap3A_53 {strides = array<i32>} : memref<8x41x4x1280xf32, #tpu.memory_space<vmem>>, vector<1x41x1x1280xf32>,
    %get3A_54 = arith.index_cast %select_n3A : i32 to index
    %get3A_55 = arith.constant 1280 : index
    %get3A_56 = vector.load %arg2[%get3A_54, %get3A_55] : memref<8x5120xf32, #tpu.memory_space<vmem>>, vector<1x1280xf32>
    %get3A_57 = arith.index_cast %rem3A_0 : i32 to index
    %get3A_58 = arith.constant 0 : index
    %get3A_59 = arith.constant 1 : index
    %get3A_60 = arith.constant 0 : index
    %get3A_61 = vector.load %arg5[%get3A_57, %get3A_58, %get3A_59, %get3A_60] : memref<8x41x4x1280xf32, #tpu.memory_space<vmem>>, vector<1x41x1x1280xf32>
    %get3A_62 = vector.shape_cast %get3A_61 : vector<1x41x1x1280xf32> to vector<41x1280xf32>
    %mul3A_63 = vector.broadcast %tanh3A : vector<1x1xf32> to vector<1x1280xf32>
    %mul3A_64 = arith.mulf %mul3A_63, %get3A_56 : vector<1x1280xf32>
    %add3A_65 = vector.broadcast %mul3A_64 : vector<1x1280xf32> to vector<41x1280xf32>
    %add3A_66 = arith.addf %get3A_62, %add3A_65 : vector<41x1280xf32>
    %swap3A_67 = arith.index_cast %rem3A_0 : i32 to index
    %swap3A_68 = arith.constant 0 : index
    %swap3A_69 = arith.constant 1 : index
    %swap3A_70 = arith.constant 0 : index
    %swap3A_71 = vector.load %arg6[%swap3A_67, %swap3A_68, %swap3A_69, %swap3A_70] : memref<8x41x4x1280xf32, #tpu.memory_space<vmem>>, vector<1x41x1x1280xf32>
    %swap3A_72 = vector.shape_cast %swap3A_71 : vector<1x41x1x1280xf32> to vector<41x1280xf32>
    %swap3A_73 = vector.shape_cast %add3A_66 : vector<41x1280xf32> to vector<1x41x1x1280xf32>
    tpu.vector_store %arg6[%swap3A_67, %swap3A_68, %swap3A_69, %swap3A_70], %swap3A_73 {strides = array<i32>} : memref<8x41x4x1280xf32, #tpu.memory_space<vmem>>, vector<1x41x1x1280xf32>,
    %get3A_74 = arith.index_cast %select_n3A : i32 to index
    %get3A_75 = arith.constant 2560 : index
    %get3A_76 = vector.load %arg2[%get3A_74, %get3A_75] : memref<8x5120xf32, #tpu.memory_space<vmem>>, vector<1x1280xf32>
    %get3A_77 = arith.index_cast %rem3A_0 : i32 to index
    %get3A_78 = arith.constant 0 : index
    %get3A_79 = arith.constant 2 : index
    %get3A_80 = arith.constant 0 : index
    %get3A_81 = vector.load %arg5[%get3A_77, %get3A_78, %get3A_79, %get3A_80] : memref<8x41x4x1280xf32, #tpu.memory_space<vmem>>, vector<1x41x1x1280xf32>
    %get3A_82 = vector.shape_cast %get3A_81 : vector<1x41x1x1280xf32> to vector<41x1280xf32>
    %mul3A_83 = vector.broadcast %tanh3A : vector<1x1xf32> to vector<1x1280xf32>
    %mul3A_84 = arith.mulf %mul3A_83, %get3A_76 : vector<1x1280xf32>
    %add3A_85 = vector.broadcast %mul3A_84 : vector<1x1280xf32> to vector<41x1280xf32>
    %add3A_86 = arith.addf %get3A_82, %add3A_85 : vector<41x1280xf32>
    %swap3A_87 = arith.index_cast %rem3A_0 : i32 to index
    %swap3A_88 = arith.constant 0 : index
    %swap3A_89 = arith.constant 2 : index
    %swap3A_90 = arith.constant 0 : index
    %swap3A_91 = vector.load %arg6[%swap3A_87, %swap3A_88, %swap3A_89, %swap3A_90] : memref<8x41x4x1280xf32, #tpu.memory_space<vmem>>, vector<1x41x1x1280xf32>
    %swap3A_92 = vector.shape_cast %swap3A_91 : vector<1x41x1x1280xf32> to vector<41x1280xf32>
    %swap3A_93 = vector.shape_cast %add3A_86 : vector<41x1280xf32> to vector<1x41x1x1280xf32>
    tpu.vector_store %arg6[%swap3A_87, %swap3A_88, %swap3A_89, %swap3A_90], %swap3A_93 {strides = array<i32>} : memref<8x41x4x1280xf32, #tpu.memory_space<vmem>>, vector<1x41x1x1280xf32>,
    %get3A_94 = arith.index_cast %select_n3A : i32 to index
    %get3A_95 = arith.constant 3840 : index
    %get3A_96 = vector.load %arg2[%get3A_94, %get3A_95] : memref<8x5120xf32, #tpu.memory_space<vmem>>, vector<1x1280xf32>
    %get3A_97 = arith.index_cast %rem3A_0 : i32 to index
    %get3A_98 = arith.constant 0 : index
    %get3A_99 = arith.constant 3 : index
    %get3A_100 = arith.constant 0 : index
    %get3A_101 = vector.load %arg5[%get3A_97, %get3A_98, %get3A_99, %get3A_100] : memref<8x41x4x1280xf32, #tpu.memory_space<vmem>>, vector<1x41x1x1280xf32>
    %get3A_102 = vector.shape_cast %get3A_101 : vector<1x41x1x1280xf32> to vector<41x1280xf32>
    %mul3A_103 = vector.broadcast %tanh3A : vector<1x1xf32> to vector<1x1280xf32>
    %mul3A_104 = arith.mulf %mul3A_103, %get3A_96 : vector<1x1280xf32>
    %add3A_105 = vector.broadcast %mul3A_104 : vector<1x1280xf32> to vector<41x1280xf32>
    %add3A_106 = arith.addf %get3A_102, %add3A_105 : vector<41x1280xf32>
    %swap3A_107 = arith.index_cast %rem3A_0 : i32 to index
    %swap3A_108 = arith.constant 0 : index
    %swap3A_109 = arith.constant 3 : index
    %swap3A_110 = arith.constant 0 : index
    %swap3A_111 = vector.load %arg6[%swap3A_107, %swap3A_108, %swap3A_109, %swap3A_110] : memref<8x41x4x1280xf32, #tpu.memory_space<vmem>>, vector<1x41x1x1280xf32>
    %swap3A_112 = vector.shape_cast %swap3A_111 : vector<1x41x1x1280xf32> to vector<41x1280xf32>
    %swap3A_113 = vector.shape_cast %add3A_106 : vector<41x1280xf32> to vector<1x41x1x1280xf32>
    tpu.vector_store %arg6[%swap3A_107, %swap3A_108, %swap3A_109, %swap3A_110], %swap3A_113 {strides = array<i32>} : memref<8x41x4x1280xf32, #tpu.memory_space<vmem>>, vector<1x41x1x1280xf32>,
    %dma_start3A = tpu.memref_slice %arg8[%rem3A_0] : memref<8x!tpu.dma_semaphore, #tpu.memory_space<semaphore_mem>> -> memref<1x!tpu.dma_semaphore, #tpu.memory_space<semaphore_mem>>
    %dma_start3A_114 = tpu.memref_squeeze %dma_start3A : memref<1x!tpu.dma_semaphore, #tpu.memory_space<semaphore_mem>> -> memref<!tpu.dma_semaphore, #tpu.memory_space<semaphore_mem>>
    %dma_start3A_115 = arith.constant 0 : i32
    %dma_start3A_116 = arith.constant 0 : i32
    %dma_start3A_117 = arith.constant 0 : i32
    %dma_start3A_118 = tpu.memref_slice %arg4[%arg0, %dma_start3A_115, %dma_start3A_116, %dma_start3A_117] : memref<200x41x4x1280xf32, #tpu.memory_space<hbm>> -> memref<1x41x4x1280xf32, #tpu.memory_space<hbm>>
    %dma_start3A_119 = tpu.memref_squeeze %dma_start3A_118 : memref<1x41x4x1280xf32, #tpu.memory_space<hbm>> -> memref<41x4x1280xf32, #tpu.memory_space<hbm>>
    %dma_start3A_120 = arith.constant 0 : i32
    %dma_start3A_121 = arith.constant 0 : i32
    %dma_start3A_122 = arith.constant 0 : i32
    %dma_start3A_123 = tpu.memref_slice %arg6[%rem3A_0, %dma_start3A_120, %dma_start3A_121, %dma_start3A_122] : memref<8x41x4x1280xf32, #tpu.memory_space<vmem>> -> memref<1x41x4x1280xf32, #tpu.memory_space<vmem>>
    %dma_start3A_124 = tpu.memref_squeeze %dma_start3A_123 : memref<1x41x4x1280xf32, #tpu.memory_space<vmem>> -> memref<41x4x1280xf32, #tpu.memory_space<vmem>>
    tpu.enqueue_dma source(%dma_start3A_124 : memref<41x4x1280xf32, #tpu.memory_space<vmem>>) target(%dma_start3A_119 : memref<41x4x1280xf32, #tpu.memory_space<hbm>>) target_semaphore(%dma_start3A_114 : memref<!tpu.dma_semaphore, #tpu.memory_space<semaphore_mem>>)
    %add3A_125 = arith.constant 8 : i32
    %add3A_126 = arith.addi %arg0, %add3A_125 : i32
    %lt3A = arith.constant 200 : i32
    %lt3A_127 = arith.cmpi slt, %add3A_126, %lt3A : i32
    %convert_element_type3A_128 = arith.extui %lt3A_127 : i1 to i32
    %cond3A_129 = arith.constant 0 : i32
    %cond3A_130 = arith.cmpi ne, %convert_element_type3A_128, %cond3A_129 : i32
    scf.if %cond3A_130 {
      %add3A_136 = arith.constant 8 : i32
      %add3A_137 = arith.addi %arg0, %add3A_136 : i32
      %dma_start3A_138 = tpu.memref_slice %arg7[%rem3A_0] : memref<8x!tpu.dma_semaphore, #tpu.memory_space<semaphore_mem>> -> memref<1x!tpu.dma_semaphore, #tpu.memory_space<semaphore_mem>>
      %dma_start3A_139 = tpu.memref_squeeze %dma_start3A_138 : memref<1x!tpu.dma_semaphore, #tpu.memory_space<semaphore_mem>> -> memref<!tpu.dma_semaphore, #tpu.memory_space<semaphore_mem>>
      %dma_start3A_140 = arith.constant 0 : i32
      %dma_start3A_141 = arith.constant 0 : i32
      %dma_start3A_142 = arith.constant 0 : i32
      %dma_start3A_143 = tpu.memref_slice %arg5[%rem3A_0, %dma_start3A_140, %dma_start3A_141, %dma_start3A_142] : memref<8x41x4x1280xf32, #tpu.memory_space<vmem>> -> memref<1x41x4x1280xf32, #tpu.memory_space<vmem>>
      %dma_start3A_144 = tpu.memref_squeeze %dma_start3A_143 : memref<1x41x4x1280xf32, #tpu.memory_space<vmem>> -> memref<41x4x1280xf32, #tpu.memory_space<vmem>>
      %dma_start3A_145 = arith.constant 0 : i32
      %dma_start3A_146 = arith.constant 0 : i32
      %dma_start3A_147 = arith.constant 0 : i32
      %dma_start3A_148 = tpu.memref_slice %arg3[%add3A_137, %dma_start3A_145, %dma_start3A_146, %dma_start3A_147] : memref<200x41x4x1280xf32, #tpu.memory_space<hbm>> -> memref<1x41x4x1280xf32, #tpu.memory_space<hbm>>
      %dma_start3A_149 = tpu.memref_squeeze %dma_start3A_148 : memref<1x41x4x1280xf32, #tpu.memory_space<hbm>> -> memref<41x4x1280xf32, #tpu.memory_space<hbm>>
      tpu.enqueue_dma source(%dma_start3A_149 : memref<41x4x1280xf32, #tpu.memory_space<hbm>>) target(%dma_start3A_144 : memref<41x4x1280xf32, #tpu.memory_space<vmem>>) target_semaphore(%dma_start3A_139 : memref<!tpu.dma_semaphore, #tpu.memory_space<semaphore_mem>>)
    } else {
    }
    %eq3A_131 = arith.constant 199 : i32
    %eq3A_132 = arith.cmpi eq, %arg0, %eq3A_131 : i32
    %convert_element_type3A_133 = arith.extui %eq3A_132 : i1 to i32
    %cond3A_134 = arith.constant 0 : i32
    %cond3A_135 = arith.cmpi ne, %convert_element_type3A_133, %cond3A_134 : i32
    scf.if %cond3A_135 {
      %dma_wait3A_136 = arith.constant 0 : i32
      %dma_wait3A_137 = arith.constant 0 : i32
      %dma_wait3A_138 = arith.constant 0 : i32
      %dma_wait3A_139 = tpu.memref_slice %arg8[%dma_wait3A_138] : memref<8x!tpu.dma_semaphore, #tpu.memory_space<semaphore_mem>> -> memref<1x!tpu.dma_semaphore, #tpu.memory_space<semaphore_mem>>
      %dma_wait3A_140 = tpu.memref_squeeze %dma_wait3A_139 : memref<1x!tpu.dma_semaphore, #tpu.memory_space<semaphore_mem>> -> memref<!tpu.dma_semaphore, #tpu.memory_space<semaphore_mem>>
      %dma_wait3A_141 = arith.constant 0 : i32
      %dma_wait3A_142 = arith.constant 0 : i32
      %dma_wait3A_143 = arith.constant 0 : i32
      %dma_wait3A_144 = tpu.memref_slice %arg4[%dma_wait3A_137, %dma_wait3A_141, %dma_wait3A_142, %dma_wait3A_143] : memref<200x41x4x1280xf32, #tpu.memory_space<hbm>> -> memref<1x41x4x1280xf32, #tpu.memory_space<hbm>>
      %dma_wait3A_145 = tpu.memref_squeeze %dma_wait3A_144 : memref<1x41x4x1280xf32, #tpu.memory_space<hbm>> -> memref<41x4x1280xf32, #tpu.memory_space<hbm>>
      %dma_wait3A_146 = arith.constant 0 : i32
      %dma_wait3A_147 = arith.constant 0 : i32
      %dma_wait3A_148 = arith.constant 0 : i32
      %dma_wait3A_149 = tpu.memref_slice %arg6[%dma_wait3A_136, %dma_wait3A_146, %dma_wait3A_147, %dma_wait3A_148] : memref<8x41x4x1280xf32, #tpu.memory_space<vmem>> -> memref<1x41x4x1280xf32, #tpu.memory_space<vmem>>
      %dma_wait3A_150 = tpu.memref_squeeze %dma_wait3A_149 : memref<1x41x4x1280xf32, #tpu.memory_space<vmem>> -> memref<41x4x1280xf32, #tpu.memory_space<vmem>>
      tpu.wait_dma2 semaphore(%dma_wait3A_140 : memref<!tpu.dma_semaphore, #tpu.memory_space<semaphore_mem>>) src(%dma_wait3A_150 : memref<41x4x1280xf32, #tpu.memory_space<vmem>>) dst(%dma_wait3A_145 : memref<41x4x1280xf32, #tpu.memory_space<hbm>>)
      %dma_wait3A_151 = arith.constant 1 : i32
      %dma_wait3A_152 = arith.constant 0 : i32
      %dma_wait3A_153 = arith.constant 1 : i32
      %dma_wait3A_154 = tpu.memref_slice %arg8[%dma_wait3A_153] : memref<8x!tpu.dma_semaphore, #tpu.memory_space<semaphore_mem>> -> memref<1x!tpu.dma_semaphore, #tpu.memory_space<semaphore_mem>>
      %dma_wait3A_155 = tpu.memref_squeeze %dma_wait3A_154 : memref<1x!tpu.dma_semaphore, #tpu.memory_space<semaphore_mem>> -> memref<!tpu.dma_semaphore, #tpu.memory_space<semaphore_mem>>
      %dma_wait3A_156 = arith.constant 0 : i32
      %dma_wait3A_157 = arith.constant 0 : i32
      %dma_wait3A_158 = arith.constant 0 : i32
      %dma_wait3A_159 = tpu.memref_slice %arg4[%dma_wait3A_152, %dma_wait3A_156, %dma_wait3A_157, %dma_wait3A_158] : memref<200x41x4x1280xf32, #tpu.memory_space<hbm>> -> memref<1x41x4x1280xf32, #tpu.memory_space<hbm>>
      %dma_wait3A_160 = tpu.memref_squeeze %dma_wait3A_159 : memref<1x41x4x1280xf32, #tpu.memory_space<hbm>> -> memref<41x4x1280xf32, #tpu.memory_space<hbm>>
      %dma_wait3A_161 = arith.constant 0 : i32
      %dma_wait3A_162 = arith.constant 0 : i32
      %dma_wait3A_163 = arith.constant 0 : i32
      %dma_wait3A_164 = tpu.memref_slice %arg6[%dma_wait3A_151, %dma_wait3A_161, %dma_wait3A_162, %dma_wait3A_163] : memref<8x41x4x1280xf32, #tpu.memory_space<vmem>> -> memref<1x41x4x1280xf32, #tpu.memory_space<vmem>>
      %dma_wait3A_165 = tpu.memref_squeeze %dma_wait3A_164 : memref<1x41x4x1280xf32, #tpu.memory_space<vmem>> -> memref<41x4x1280xf32, #tpu.memory_space<vmem>>
      tpu.wait_dma2 semaphore(%dma_wait3A_155 : memref<!tpu.dma_semaphore, #tpu.memory_space<semaphore_mem>>) src(%dma_wait3A_165 : memref<41x4x1280xf32, #tpu.memory_space<vmem>>) dst(%dma_wait3A_160 : memref<41x4x1280xf32, #tpu.memory_space<hbm>>)
      %dma_wait3A_166 = arith.constant 2 : i32
      %dma_wait3A_167 = arith.constant 0 : i32
      %dma_wait3A_168 = arith.constant 2 : i32
      %dma_wait3A_169 = tpu.memref_slice %arg8[%dma_wait3A_168] : memref<8x!tpu.dma_semaphore, #tpu.memory_space<semaphore_mem>> -> memref<1x!tpu.dma_semaphore, #tpu.memory_space<semaphore_mem>>
      %dma_wait3A_170 = tpu.memref_squeeze %dma_wait3A_169 : memref<1x!tpu.dma_semaphore, #tpu.memory_space<semaphore_mem>> -> memref<!tpu.dma_semaphore, #tpu.memory_space<semaphore_mem>>
      %dma_wait3A_171 = arith.constant 0 : i32
      %dma_wait3A_172 = arith.constant 0 : i32
      %dma_wait3A_173 = arith.constant 0 : i32
      %dma_wait3A_174 = tpu.memref_slice %arg4[%dma_wait3A_167, %dma_wait3A_171, %dma_wait3A_172, %dma_wait3A_173] : memref<200x41x4x1280xf32, #tpu.memory_space<hbm>> -> memref<1x41x4x1280xf32, #tpu.memory_space<hbm>>
      %dma_wait3A_175 = tpu.memref_squeeze %dma_wait3A_174 : memref<1x41x4x1280xf32, #tpu.memory_space<hbm>> -> memref<41x4x1280xf32, #tpu.memory_space<hbm>>
      %dma_wait3A_176 = arith.constant 0 : i32
      %dma_wait3A_177 = arith.constant 0 : i32
      %dma_wait3A_178 = arith.constant 0 : i32
      %dma_wait3A_179 = tpu.memref_slice %arg6[%dma_wait3A_166, %dma_wait3A_176, %dma_wait3A_177, %dma_wait3A_178] : memref<8x41x4x1280xf32, #tpu.memory_space<vmem>> -> memref<1x41x4x1280xf32, #tpu.memory_space<vmem>>
      %dma_wait3A_180 = tpu.memref_squeeze %dma_wait3A_179 : memref<1x41x4x1280xf32, #tpu.memory_space<vmem>> -> memref<41x4x1280xf32, #tpu.memory_space<vmem>>
      tpu.wait_dma2 semaphore(%dma_wait3A_170 : memref<!tpu.dma_semaphore, #tpu.memory_space<semaphore_mem>>) src(%dma_wait3A_180 : memref<41x4x1280xf32, #tpu.memory_space<vmem>>) dst(%dma_wait3A_175 : memref<41x4x1280xf32, #tpu.memory_space<hbm>>)
      %dma_wait3A_181 = arith.constant 3 : i32
      %dma_wait3A_182 = arith.constant 0 : i32
      %dma_wait3A_183 = arith.constant 3 : i32
      %dma_wait3A_184 = tpu.memref_slice %arg8[%dma_wait3A_183] : memref<8x!tpu.dma_semaphore, #tpu.memory_space<semaphore_mem>> -> memref<1x!tpu.dma_semaphore, #tpu.memory_space<semaphore_mem>>
      %dma_wait3A_185 = tpu.memref_squeeze %dma_wait3A_184 : memref<1x!tpu.dma_semaphore, #tpu.memory_space<semaphore_mem>> -> memref<!tpu.dma_semaphore, #tpu.memory_space<semaphore_mem>>
      %dma_wait3A_186 = arith.constant 0 : i32
      %dma_wait3A_187 = arith.constant 0 : i32
      %dma_wait3A_188 = arith.constant 0 : i32
      %dma_wait3A_189 = tpu.memref_slice %arg4[%dma_wait3A_182, %dma_wait3A_186, %dma_wait3A_187, %dma_wait3A_188] : memref<200x41x4x1280xf32, #tpu.memory_space<hbm>> -> memref<1x41x4x1280xf32, #tpu.memory_space<hbm>>
      %dma_wait3A_190 = tpu.memref_squeeze %dma_wait3A_189 : memref<1x41x4x1280xf32, #tpu.memory_space<hbm>> -> memref<41x4x1280xf32, #tpu.memory_space<hbm>>
      %dma_wait3A_191 = arith.constant 0 : i32
      %dma_wait3A_192 = arith.constant 0 : i32
      %dma_wait3A_193 = arith.constant 0 : i32
      %dma_wait3A_194 = tpu.memref_slice %arg6[%dma_wait3A_181, %dma_wait3A_191, %dma_wait3A_192, %dma_wait3A_193] : memref<8x41x4x1280xf32, #tpu.memory_space<vmem>> -> memref<1x41x4x1280xf32, #tpu.memory_space<vmem>>
      %dma_wait3A_195 = tpu.memref_squeeze %dma_wait3A_194 : memref<1x41x4x1280xf32, #tpu.memory_space<vmem>> -> memref<41x4x1280xf32, #tpu.memory_space<vmem>>
      tpu.wait_dma2 semaphore(%dma_wait3A_185 : memref<!tpu.dma_semaphore, #tpu.memory_space<semaphore_mem>>) src(%dma_wait3A_195 : memref<41x4x1280xf32, #tpu.memory_space<vmem>>) dst(%dma_wait3A_190 : memref<41x4x1280xf32, #tpu.memory_space<hbm>>)
      %dma_wait3A_196 = arith.constant 4 : i32
      %dma_wait3A_197 = arith.constant 0 : i32
      %dma_wait3A_198 = arith.constant 4 : i32
      %dma_wait3A_199 = tpu.memref_slice %arg8[%dma_wait3A_198] : memref<8x!tpu.dma_semaphore, #tpu.memory_space<semaphore_mem>> -> memref<1x!tpu.dma_semaphore, #tpu.memory_space<semaphore_mem>>
      %dma_wait3A_200 = tpu.memref_squeeze %dma_wait3A_199 : memref<1x!tpu.dma_semaphore, #tpu.memory_space<semaphore_mem>> -> memref<!tpu.dma_semaphore, #tpu.memory_space<semaphore_mem>>
      %dma_wait3A_201 = arith.constant 0 : i32
      %dma_wait3A_202 = arith.constant 0 : i32
      %dma_wait3A_203 = arith.constant 0 : i32
      %dma_wait3A_204 = tpu.memref_slice %arg4[%dma_wait3A_197, %dma_wait3A_201, %dma_wait3A_202, %dma_wait3A_203] : memref<200x41x4x1280xf32, #tpu.memory_space<hbm>> -> memref<1x41x4x1280xf32, #tpu.memory_space<hbm>>
      %dma_wait3A_205 = tpu.memref_squeeze %dma_wait3A_204 : memref<1x41x4x1280xf32, #tpu.memory_space<hbm>> -> memref<41x4x1280xf32, #tpu.memory_space<hbm>>
      %dma_wait3A_206 = arith.constant 0 : i32
      %dma_wait3A_207 = arith.constant 0 : i32
      %dma_wait3A_208 = arith.constant 0 : i32
      %dma_wait3A_209 = tpu.memref_slice %arg6[%dma_wait3A_196, %dma_wait3A_206, %dma_wait3A_207, %dma_wait3A_208] : memref<8x41x4x1280xf32, #tpu.memory_space<vmem>> -> memref<1x41x4x1280xf32, #tpu.memory_space<vmem>>
      %dma_wait3A_210 = tpu.memref_squeeze %dma_wait3A_209 : memref<1x41x4x1280xf32, #tpu.memory_space<vmem>> -> memref<41x4x1280xf32, #tpu.memory_space<vmem>>
      tpu.wait_dma2 semaphore(%dma_wait3A_200 : memref<!tpu.dma_semaphore, #tpu.memory_space<semaphore_mem>>) src(%dma_wait3A_210 : memref<41x4x1280xf32, #tpu.memory_space<vmem>>) dst(%dma_wait3A_205 : memref<41x4x1280xf32, #tpu.memory_space<hbm>>)
      %dma_wait3A_211 = arith.constant 5 : i32
      %dma_wait3A_212 = arith.constant 0 : i32
      %dma_wait3A_213 = arith.constant 5 : i32
      %dma_wait3A_214 = tpu.memref_slice %arg8[%dma_wait3A_213] : memref<8x!tpu.dma_semaphore, #tpu.memory_space<semaphore_mem>> -> memref<1x!tpu.dma_semaphore, #tpu.memory_space<semaphore_mem>>
      %dma_wait3A_215 = tpu.memref_squeeze %dma_wait3A_214 : memref<1x!tpu.dma_semaphore, #tpu.memory_space<semaphore_mem>> -> memref<!tpu.dma_semaphore, #tpu.memory_space<semaphore_mem>>
      %dma_wait3A_216 = arith.constant 0 : i32
      %dma_wait3A_217 = arith.constant 0 : i32
      %dma_wait3A_218 = arith.constant 0 : i32
      %dma_wait3A_219 = tpu.memref_slice %arg4[%dma_wait3A_212, %dma_wait3A_216, %dma_wait3A_217, %dma_wait3A_218] : memref<200x41x4x1280xf32, #tpu.memory_space<hbm>> -> memref<1x41x4x1280xf32, #tpu.memory_space<hbm>>
      %dma_wait3A_220 = tpu.memref_squeeze %dma_wait3A_219 : memref<1x41x4x1280xf32, #tpu.memory_space<hbm>> -> memref<41x4x1280xf32, #tpu.memory_space<hbm>>
      %dma_wait3A_221 = arith.constant 0 : i32
      %dma_wait3A_222 = arith.constant 0 : i32
      %dma_wait3A_223 = arith.constant 0 : i32
      %dma_wait3A_224 = tpu.memref_slice %arg6[%dma_wait3A_211, %dma_wait3A_221, %dma_wait3A_222, %dma_wait3A_223] : memref<8x41x4x1280xf32, #tpu.memory_space<vmem>> -> memref<1x41x4x1280xf32, #tpu.memory_space<vmem>>
      %dma_wait3A_225 = tpu.memref_squeeze %dma_wait3A_224 : memref<1x41x4x1280xf32, #tpu.memory_space<vmem>> -> memref<41x4x1280xf32, #tpu.memory_space<vmem>>
      tpu.wait_dma2 semaphore(%dma_wait3A_215 : memref<!tpu.dma_semaphore, #tpu.memory_space<semaphore_mem>>) src(%dma_wait3A_225 : memref<41x4x1280xf32, #tpu.memory_space<vmem>>) dst(%dma_wait3A_220 : memref<41x4x1280xf32, #tpu.memory_space<hbm>>)
      %dma_wait3A_226 = arith.constant 6 : i32
      %dma_wait3A_227 = arith.constant 0 : i32
      %dma_wait3A_228 = arith.constant 6 : i32
      %dma_wait3A_229 = tpu.memref_slice %arg8[%dma_wait3A_228] : memref<8x!tpu.dma_semaphore, #tpu.memory_space<semaphore_mem>> -> memref<1x!tpu.dma_semaphore, #tpu.memory_space<semaphore_mem>>
      %dma_wait3A_230 = tpu.memref_squeeze %dma_wait3A_229 : memref<1x!tpu.dma_semaphore, #tpu.memory_space<semaphore_mem>> -> memref<!tpu.dma_semaphore, #tpu.memory_space<semaphore_mem>>
      %dma_wait3A_231 = arith.constant 0 : i32
      %dma_wait3A_232 = arith.constant 0 : i32
      %dma_wait3A_233 = arith.constant 0 : i32
      %dma_wait3A_234 = tpu.memref_slice %arg4[%dma_wait3A_227, %dma_wait3A_231, %dma_wait3A_232, %dma_wait3A_233] : memref<200x41x4x1280xf32, #tpu.memory_space<hbm>> -> memref<1x41x4x1280xf32, #tpu.memory_space<hbm>>
      %dma_wait3A_235 = tpu.memref_squeeze %dma_wait3A_234 : memref<1x41x4x1280xf32, #tpu.memory_space<hbm>> -> memref<41x4x1280xf32, #tpu.memory_space<hbm>>
      %dma_wait3A_236 = arith.constant 0 : i32
      %dma_wait3A_237 = arith.constant 0 : i32
      %dma_wait3A_238 = arith.constant 0 : i32
      %dma_wait3A_239 = tpu.memref_slice %arg6[%dma_wait3A_226, %dma_wait3A_236, %dma_wait3A_237, %dma_wait3A_238] : memref<8x41x4x1280xf32, #tpu.memory_space<vmem>> -> memref<1x41x4x1280xf32, #tpu.memory_space<vmem>>
      %dma_wait3A_240 = tpu.memref_squeeze %dma_wait3A_239 : memref<1x41x4x1280xf32, #tpu.memory_space<vmem>> -> memref<41x4x1280xf32, #tpu.memory_space<vmem>>
      tpu.wait_dma2 semaphore(%dma_wait3A_230 : memref<!tpu.dma_semaphore, #tpu.memory_space<semaphore_mem>>) src(%dma_wait3A_240 : memref<41x4x1280xf32, #tpu.memory_space<vmem>>) dst(%dma_wait3A_235 : memref<41x4x1280xf32, #tpu.memory_space<hbm>>)
      %dma_wait3A_241 = arith.constant 7 : i32
      %dma_wait3A_242 = arith.constant 0 : i32
      %dma_wait3A_243 = arith.constant 7 : i32
      %dma_wait3A_244 = tpu.memref_slice %arg8[%dma_wait3A_243] : memref<8x!tpu.dma_semaphore, #tpu.memory_space<semaphore_mem>> -> memref<1x!tpu.dma_semaphore, #tpu.memory_space<semaphore_mem>>
      %dma_wait3A_245 = tpu.memref_squeeze %dma_wait3A_244 : memref<1x!tpu.dma_semaphore, #tpu.memory_space<semaphore_mem>> -> memref<!tpu.dma_semaphore, #tpu.memory_space<semaphore_mem>>
      %dma_wait3A_246 = arith.constant 0 : i32
      %dma_wait3A_247 = arith.constant 0 : i32
      %dma_wait3A_248 = arith.constant 0 : i32
      %dma_wait3A_249 = tpu.memref_slice %arg4[%dma_wait3A_242, %dma_wait3A_246, %dma_wait3A_247, %dma_wait3A_248] : memref<200x41x4x1280xf32, #tpu.memory_space<hbm>> -> memref<1x41x4x1280xf32, #tpu.memory_space<hbm>>
      %dma_wait3A_250 = tpu.memref_squeeze %dma_wait3A_249 : memref<1x41x4x1280xf32, #tpu.memory_space<hbm>> -> memref<41x4x1280xf32, #tpu.memory_space<hbm>>
      %dma_wait3A_251 = arith.constant 0 : i32
      %dma_wait3A_252 = arith.constant 0 : i32
      %dma_wait3A_253 = arith.constant 0 : i32
      %dma_wait3A_254 = tpu.memref_slice %arg6[%dma_wait3A_241, %dma_wait3A_251, %dma_wait3A_252, %dma_wait3A_253] : memref<8x41x4x1280xf32, #tpu.memory_space<vmem>> -> memref<1x41x4x1280xf32, #tpu.memory_space<vmem>>
      %dma_wait3A_255 = tpu.memref_squeeze %dma_wait3A_254 : memref<1x41x4x1280xf32, #tpu.memory_space<vmem>> -> memref<41x4x1280xf32, #tpu.memory_space<vmem>>
      tpu.wait_dma2 semaphore(%dma_wait3A_245 : memref<!tpu.dma_semaphore, #tpu.memory_space<semaphore_mem>>) src(%dma_wait3A_255 : memref<41x4x1280xf32, #tpu.memory_space<vmem>>) dst(%dma_wait3A_250 : memref<41x4x1280xf32, #tpu.memory_space<hbm>>)
    } else {
    }
    return
  }
  func.func @transform_0(%arg0: i32) -> (i32, i32) {
    %c0_i32 = arith.constant 0 : i32
    %c0_i32_0 = arith.constant 0 : i32
    %c0_i32_1 = arith.constant 0 : i32
    return %c0_i32, %c0_i32_0 : i32, i32
  }
  func.func @transform_1(%arg0: i32) -> (i32, i32) {
    %c0_i32 = arith.constant 0 : i32
    %c0_i32_0 = arith.constant 0 : i32
    %c0_i32_1 = arith.constant 0 : i32
    return %c0_i32, %c0_i32_0 : i32, i32
  }
}

</mosaic_0001>

<sc_bundles>
// kernel: kernel.4.cloned.1.call-start
scs
__scs_entry_jumppad:
0x0: {  	(pc) =	sbr.rel $0x88, $3  }
0x1: {  	(tag) =	ssettag $0x0;
	lr =	simm.s32 $0x1  }
0x2: {  	[smem:$0x3F9D] =	sst lr;
	_ =	strace $0xD0000000  }
0x3: {  	_ = 	snop  }
0x4: {  	_ = 	snop  }
0x5: {  	_ = 	snop  }
0x6: {  	_ = 	snop  }
0x7: {  	_ = 	snop  }
__scs_overlays_trampoline_lowered:
0x8: {  	[smem:$0x3FAC] =	sst s0  }
0x9: {  	[smem:$0x3FAD] =	sst s1  }
0xa: {  	[smem:$0x3FAE] =	sst s2  }
0xb: {  	[smem:$0x3FAF] =	sst s3  }
0xc: {  	[smem:$0x3FB0] =	sst s4  }
0xd: {  	[smem:$0x3FB1] =	sst s5  }
0xe: {  	[smem:$0x3FB2] =	sst s6  }
0xf: {  	[smem:$0x3FB3] =	sst s7  }
0x10: {  	[smem:$0x3FB4] =	sst s8  }
0x11: {  	[smem:$0x3FB5] =	sst s9;
	s0 =	simm.s32 @!p0 $0x0  }
0x12: {  	s1 =	sld [smem:$0x3F9B];
	s0 =	simm.s32 @p0 $0x1  }
0x13: {  	[smem:$0x3FB6] =	sst s0;
	s0 =	simm.s32 @!p1 $0x0  }
0x14: {  	s2 =	sld [smem:$0x3F9A];
	s0 =	simm.s32 @p1 $0x1  }
0x15: {  	[smem:$0x3FB7] =	sst s0;
	s0 =	simm.s32 @!p2 $0x0  }
0x16: {  	s3 =	sld [smem:$0x3FDB];
	s0 =	simm.s32 @p2 $0x1  }
0x17: {  	s4 =	simm.s32 $0x1BF5;
	[smem:$0x3FB9] =	sst s0  }
0x18: {  	s0 =	sld [smem:$0x3F9C];
	_ =	swait.ge [sflag:s4], $0x0  }
0x19: {  	s7 =	sld [smem:$0x3F9D]  }
0x1a: {  	s8 =	sadd.s32 $0xFFFFE003, lr  }
0x1b: {  	s9 =	sadd.s32 $0xFFFFFEF7, lr;
	s5 =	simm.s32 $0xFFFFFFFF;
	p2 =	slt.u32 s8, $0xFFFFF086  }
0x1c: {  	p1 =	slt.u32 s9, $0xF7A;
	s5 =	simm.s32 @!p2 $0x0  }
0x1d: {  	s5 =	simm.s32 @p1 $0x1;
	p0 =	seq.s32 s7, s2  }
0x1e: {  	s7 =	smul.u32 @!p0 $0xF7A, s2;
	p2 =	seq.s32 @!p0 s5, $0x0  }
0x1f: {  	s9 =	smul.u32 $0xF7A, s1;
	s8 =	simm.s32 @!p0 $0x1BF5;
	p2 =	por !p2, p0  }
0x20: {  	[sflag:s8] =	ssyncset.s32 @!p0 $0xFFFFF086;
	s6 =	sadd.s32 @!p0 s3, s7;
	s7 =	simm.s32 @!p0 $0x108  }
0x21: {  	s3 =	sadd.s32 s3, s9;
	s6 =	sadd.s32 @!p0 $0x88, s6;
	s7 =	simm.s32 @p2 $0x1082  }
0x22: {  	[simem:s7], [sflag:s8] =	dma.local @!p0 [hbm:s6], $0xF7A  }
0x23: {  	s9 =	sor.u32 $0xD0000000, s2;
	s6 =	simm.s32 $0x108;
	_ =	swait.ge @!p0 [sflag:s8], $0x0  }
0x24: {  	s3 =	sadd.s32 $0x88, s3;
	s6 =	simm.s32 @!p1 $0x1082;
	[sflag:s4] =	ssyncset.s32 $0xFFFFF086  }
0x25: {  	[simem:s6], [sflag:s4] =	dma.local [hbm:s3], $0xF7A  }
0x26: {  	[smem:$0x3F9D] =	sst s1;
	(tag) =	ssettag s2;
	_ =	strace s9  }
0x27: {  	s1 =	sld [smem:$0x3FAD]  }
0x28: {  	s2 =	sld [smem:$0x3FAE]  }
0x29: {  	s4 =	sld [smem:$0x3FB0]  }
0x2a: {  	p0 =	seq.s32 s5, $0x0;
	s5 =	sld [smem:$0x3FB1]  }
0x2b: {  	s6 =	sld [smem:$0x3FB2]  }
0x2c: {  	s7 =	sld [smem:$0x3FB3]  }
0x2d: {  	s3 =	simm.s32 $0x108;
	s8 =	sld [smem:$0x3FB4]  }
0x2e: {  	s3 =	simm.s32 @!p0 $0x1082;
	s9 =	sld [smem:$0x3FB5]  }
0x2f: {  	lr =	sadd.s32 s0, s3;
	s0 =	sld [smem:$0x3FAC]  }
0x30: {  	s3 =	sld [smem:$0x3FAF]  }
0x31: {  	[smem:$0x3FB8] =	sst s10  }
0x32: {  	s10 =	sld [smem:$0x3FB6];
	_ =	sdelay $0x3  }
0x33: {  	p0 =	seq.s32 s10, $0x1;
	s10 =	sld [smem:$0x3FB8];
	_ =	sdelay $0x3  }
0x34: {  	[smem:$0x3FB8] =	sst s10  }
0x35: {  	s10 =	sld [smem:$0x3FB7];
	_ =	sdelay $0x3  }
0x36: {  	p1 =	seq.s32 s10, $0x1;
	s10 =	sld [smem:$0x3FB8];
	_ =	sdelay $0x3  }
0x37: {  	[smem:$0x3FB8] =	sst s10  }
0x38: {  	s10 =	sld [smem:$0x3FB9]  }
0x39: {  	_ = 	snop;
	(pc) =	sbr.ind lr, $3  }
0x3a: {  	_ = 	snop  }
0x3b: {  	_ = 	snop  }
0x3c: {  	p2 =	seq.s32 s10, $0x1;
	s10 =	sld [smem:$0x3FB8]  }
0x3d: {  	_ =	shalt  }
0x3e: {  	_ =	shalt  }
0x3f: {  	_ =	shalt  }
0x40: {  	_ =	shalt  }
0x41: {  	_ =	shalt  }
0x42: {  	_ =	shalt  }
0x43: {  	_ =	shalt  }
0x44: {  	_ =	shalt  }
0x45: {  	_ =	shalt  }
0x46: {  	_ =	shalt  }
0x47: {  	_ =	shalt  }
0x48: {  	_ =	shalt  }
0x49: {  	_ =	shalt  }
0x4a: {  	_ =	shalt  }
0x4b: {  	_ =	shalt  }
0x4c: {  	_ =	shalt  }
0x4d: {  	_ =	shalt  }
0x4e: {  	_ =	shalt  }
0x4f: {  	_ =	shalt  }
0x50: {  	_ =	shalt  }
0x51: {  	_ =	shalt  }
0x52: {  	_ =	shalt  }
0x53: {  	_ =	shalt  }
0x54: {  	_ =	shalt  }
0x55: {  	_ =	shalt  }
0x56: {  	_ =	shalt  }
0x57: {  	_ =	shalt  }
0x58: {  	_ =	shalt  }
0x59: {  	_ =	shalt  }
0x5a: {  	_ =	shalt  }
0x5b: {  	_ =	shalt  }
0x5c: {  	_ =	shalt  }
0x5d: {  	_ =	shalt  }
0x5e: {  	_ =	shalt  }
0x5f: {  	_ =	shalt  }
0x60: {  	_ =	shalt  }
0x61: {  	_ =	shalt  }
0x62: {  	_ =	shalt  }
0x63: {  	_ =	shalt  }
0x64: {  	_ =	shalt  }
0x65: {  	_ =	shalt  }
0x66: {  	_ =	shalt  }
0x67: {  	_ =	shalt  }
0x68: {  	_ =	shalt  }
0x69: {  	_ =	shalt  }
0x6a: {  	_ =	shalt  }
0x6b: {  	_ =	shalt  }
0x6c: {  	_ =	shalt  }
0x6d: {  	_ =	shalt  }
0x6e: {  	_ =	shalt  }
0x6f: {  	_ =	shalt  }
0x70: {  	_ =	shalt  }
0x71: {  	_ =	shalt  }
0x72: {  	_ =	shalt  }
0x73: {  	_ =	shalt  }
0x74: {  	_ =	shalt  }
0x75: {  	_ =	shalt  }
0x76: {  	_ =	shalt  }
0x77: {  	_ =	shalt  }
0x78: {  	_ =	shalt  }
0x79: {  	_ =	shalt  }
0x7a: {  	_ =	shalt  }
0x7b: {  	_ =	shalt  }
0x7c: {  	_ =	shalt  }
0x7d: {  	_ =	shalt  }
0x7e: {  	_ =	shalt  }
0x7f: {  	_ =	shalt  }
0x80: {  	_ =	shalt  }
0x81: {  	_ =	shalt  }
0x82: {  	_ =	shalt  }
0x83: {  	_ =	shalt  }
0x84: {  	_ =	shalt  }
0x85: {  	_ =	shalt  }
0x86: {  	_ =	shalt  }
0x87: {  	_ =	shalt  }
.Lfunc_end0:
.L_simem_size_0:
called_computation_lowered:
.L_overlay_start_0:
0x88: {  	s0 =	sld [smem:$0x3FD9]  }
0x89: {  	s1 =	sld [smem:$0x3FFE];
	_ =	sdelay $0x3  }
0x8a: {  	s0 =	sadd.s32 s1, s0  }
0x8b: {  	[smem:$0x3FC4] =	sst s0  }
0x8c: {  	_ = 	snop  }
0x8d: {  	s0 =	sld [smem:$0x3FC8]  }
0x8e: {  	s17 =	sld [smem:$0x3FC7]  }
0x8f: {  	s2 =	sld [smem:$0x3FD0];
	(tm) =	ssettm $0x1  }
0x90: {  	s3 =	sld [smem:$0x3FFB];
	_ =	sdelay $0x3  }
0x91: {  	_ =	strace s3  }
0x92: {  	s3 =	sld [smem:$0x3FFC];
	_ =	sdelay $0x3  }
0x93: {  	_ =	strace s3  }
0x94: {  	s3 =	sld [smem:$0x3FFD];
	_ =	sdelay $0x3  }
0x95: {  	_ =	strace s3  }
0x96: {  	_ =	strace $0x8FFFFFFF  }
0x97: {  	s18 =	sld [smem:$0x3FDB];
	_ =	sdelay $0x1  }
0x98: {  	s4 =	simm.s32 $_scs_section_size  }
0x99: {  	s5 =	simm.s32 $_size__tile_overlayer_lowered;
	s6 =	simm.s32 $_tile_overlayer_lowered  }
0x9a: {  	s21 =	simm.s32 $0x1BFF;
	s20 =	sshll.u32 s6, $0x1;
	s3 =	sadd.s32 s4, s18  }
0x9b: {  	s7 =	simm.s32 $0x0;
	s19 =	sshll.u32 s5, $0x1;
	s5 =	sadd.s32 s20, s3  }
0x9c: {  	[timem:s7], [sflag:s21] =	dma.local [hbm:s5], s19  }
0x9d: {  	_ =	swait.ge [sflag:s21], s19  }
0x9e: {  	s4 =	ssub.s32 $0x0, s19;
	[sflag:s21] =	ssyncset.done $0x0  }
0x9f: {  	[sflag:s21] =	ssyncadd.s32 s4;
	_ =	sdelay $0x1  }
0xa0: {  	s22 =	simm.s32 $0x1B8B  }
0xa1: {  	_ =	swait.ge [sflag:s22], $0x1  }
0xa2: {  	[sflag:s22] =	ssyncset.done $0x0  }
0xa3: {  	s23 =	simm.s32 $0x1B8E;
	[sflag:s22] =	ssyncadd.s32 $0xFFFFFFFF  }
0xa4: {  	s24 =	simm.s32 $execute0_lowered;
	[smem:$0x3FD2] =	sst s23  }
0xa5: {  	s4 =	sshll.u32 s24, $0x1;
	_ =	strace $0x80000046;
	[dreg:$0x1] =	wrdreg $0xFFFFFFFF  }
0xa6: {  	s25 =	simm.s32 $_size_execute0_lowered;
	s3 =	sadd.s32 s3, s4;
	[dreg:$0x0] =	wrdreg $0x0  }
0xa7: {  	s4 =	sshll.u32 s25, $0x1;
	[dreg:$0x2] =	wrdreg s3  }
0xa8: {  	[dreg:$0x3] =	wrdreg s4  }
0xa9: {  	[dreg:$0x4] =	wrdreg $0xC0  }
0xaa: {  	_ =	task [dreg:s7], $0x5FFFF  }
0xab: {  	[dreg:$0x1] =	wrdreg $0xFFFFFFFF  }
0xac: {  	[dreg:$0x0] =	wrdreg $0x60  }
0xad: {  	[dreg:$0x2] =	wrdreg s17  }
0xae: {  	[dreg:$0x3] =	wrdreg s0  }
0xaf: {  	[dreg:$0x4] =	wrdreg s2  }
0xb0: {  	[dreg:$0x5] =	wrdreg $0x9  }
0xb1: {  	_ =	task.clear_ibuf [dreg:s7], $0x6FFFF;
	_ =	strace $0x90000046  }
0xb2: {  	s26 =	simm.s32 $0x9;
	_ =	strace $0x80000048  }
0xb3: {  	_ =	swait.ge [sflag:s26], $0x1  }
0xb4: {  	[sflag:s26] =	ssyncadd.s32 $0xFFFFFFFF  }
0xb5: {  	_ =	strace $0x90000048  }
0xb6: {  	_ =	sfence  }
0xb7: {  	s28 =	sld [smem:$0x0];
	_ =	sdelay $0x1  }
0xb8: {  	s29 =	srdreg.scid  }
0xb9: {  	s30 =	sshll.u32 s29, $0xD;
	s31 =	sshrl.u32 s29, $0x2  }
0xba: {  	s1 =	sand.u32 $0x1, s29;
	s2 =	sand.u32 $0x4000, s30;
	s0 =	sadd.s32 s31, s28  }
0xbb: {  	s1 =	sor.u32 s2, s1;
	s0 =	sshll.u32 s0, $0x11  }
0xbc: {  	s0 =	sor.u32 s0, s1  }
0xbd: {  	s0 =	sadd.s32 $0x8F2B, s0  }
0xbe: {  	[sflag:s0] =	ssyncadd.remote.s32 $0x1  }
0xbf: {  	_ =	sfence.sel $0xFFFF  }
0xc0: {  	[dreg:$0x0] =	wrdreg $0xFFFFFFFF;
	(pc) =	sbr.abs _section_cstart, $3  }
0xc1: {  	[dreg:$0x1] =	wrdreg $0xFFFFFFFF  }
0xc2: {  	_ =	task.clear_ibuf [dreg:s7], $0x2FFFF;
	_ =	strace $0x9FFFFFFF  }
0xc3: {  	(tm) =	ssettm $0x7FFFFFFF  }
tec
execute0_lowered:
.L_overlay_start_1:
0x0: {  	(tag) =	ssettag $0x1  }
0x1: {  	s4 =	stileid.u32  }
0x2: {  	p0 =	sne.s32 s4, $0x0  }
.Ltmp0:
0x3: {  	_ = 	snop;
	(pc) =	sbr.rel @p0 .LBB2_2-.Ltmp0, $4  }
0x4: {  	s2 =	rddreg [dreg:$0x0]  }
0x5: {  	s3 =	rddreg [dreg:$0x1]  }
0x6: {  	s1 =	rddreg [dreg:$0x2]  }
0x7: {  	s0 =	rddreg [dreg:$0x3];
	_ =	strace $0x80000047  }
0x8: {  	s4 =	simm.s32 $0x0  }
0x9: {  	[tilespmem:s4], [sflag:$0x2] =	stream.linear.gather [hbm4b:s3+s4], $0x80, $0x38;
	[tilespmem:$0xA080] =	vst v63  }
0xa: {  	s3 =	simm.s32 $0x2  }
0xb: {  	_ =	swait.ge [sflag:s3], $0x80  }
0xc: {  	[sflag:s3] =	ssyncset.done $0x0  }
0xd: {  	[sflag:s3] =	ssyncadd.s32 $0xFFFFFF80  }
0xe: {  	v0 =	vld.msk [tilespmem:$0x0], $0xff;
	_ =	sdelay $0x4  }
0xf: {  	v1 =	vshrl.u32 v0, $0x3  }
0x10: {  	v1 =	vmul.u32 $0x140, v1  }
0x11: {  	v2 =	vlaneseq.u32;
	v0 =	vand.u32 $0x7, v0  }
0x12: {  	v62 =	vand.u32 $0x7, v2;
	v2 =	vshrl.u32 v2, $0x3;
	v0 =	vor.u32 v0, v1  }
0x13: {  	v63 =	vmul.u32 $0x8, v2;
	v0 =	vperm.xlane v0, v62;
	_ =	sdelay $0x1  }
0x14: {  	v0 =	vadd.s32 v63, v0;
	_ =	sdelay $0x3  }
0x15: {  	vm0 =	vmmov $0xffff;
	s5 =	simm.s32 $0x80  }
0x16: {  	[tilespmem:s5], [sflag:$0x1] =	stream.indirect_vreg.gather [hbm4b:s2+s4], $0x80, v0, vm0, $0xb8;
	[tilespmem:$0xA080] =	vst v63  }
0x17: {  	s6 =	sadd.s32 $0x100, s2;
	s7 =	simm.s32 $0x880  }
0x18: {  	[tilespmem:s7], [sflag:$0x1] =	stream.indirect_vreg.gather [hbm4b:s6+s4], $0x80, v0, vm0, $0xb8;
	[tilespmem:$0xA080] =	vst v63  }
0x19: {  	s17 =	sadd.s32 $0x200, s2;
	s18 =	simm.s32 $0x1080  }
0x1a: {  	[tilespmem:s18], [sflag:$0x1] =	stream.indirect_vreg.gather [hbm4b:s17+s4], $0x80, v0, vm0, $0xb8;
	[tilespmem:$0xA080] =	vst v63  }
0x1b: {  	s19 =	sadd.s32 $0x300, s2;
	s20 =	simm.s32 $0x1880  }
0x1c: {  	[tilespmem:s20], [sflag:$0x1] =	stream.indirect_vreg.gather [hbm4b:s19+s4], $0x80, v0, vm0, $0xb8;
	[tilespmem:$0xA080] =	vst v63  }
0x1d: {  	s21 =	sadd.s32 $0x400, s2;
	s22 =	simm.s32 $0x2080  }
0x1e: {  	[tilespmem:s22], [sflag:$0x1] =	stream.indirect_vreg.gather [hbm4b:s21+s4], $0x80, v0, vm0, $0xb8;
	[tilespmem:$0xA080] =	vst v63  }
0x1f: {  	s23 =	sadd.s32 $0x500, s2;
	s24 =	simm.s32 $0x2880  }
0x20: {  	[tilespmem:s24], [sflag:$0x1] =	stream.indirect_vreg.gather [hbm4b:s23+s4], $0x80, v0, vm0, $0xb8;
	[tilespmem:$0xA080] =	vst v63  }
0x21: {  	s25 =	sadd.s32 $0x600, s2;
	s26 =	simm.s32 $0x3080  }
0x22: {  	[tilespmem:s26], [sflag:$0x1] =	stream.indirect_vreg.gather [hbm4b:s25+s4], $0x80, v0, vm0, $0xb8;
	[tilespmem:$0xA080] =	vst v63  }
0x23: {  	s28 =	sadd.s32 $0x700, s2;
	s29 =	simm.s32 $0x3880  }
0x24: {  	[tilespmem:s29], [sflag:$0x1] =	stream.indirect_vreg.gather [hbm4b:s28+s4], $0x80, v0, vm0, $0xb8;
	[tilespmem:$0xA080] =	vst v63  }
0x25: {  	s30 =	sadd.s32 $0x800, s2;
	s31 =	simm.s32 $0x4080  }
0x26: {  	[tilespmem:s31], [sflag:$0x1] =	stream.indirect_vreg.gather [hbm4b:s30+s4], $0x80, v0, vm0, $0xb8;
	[tilespmem:$0xA080] =	vst v63  }
0x27: {  	s8 =	sadd.s32 $0x900, s2;
	s9 =	simm.s32 $0x4880  }
0x28: {  	[tilespmem:s9], [sflag:$0x1] =	stream.indirect_vreg.gather [hbm4b:s8+s4], $0x80, v0, vm0, $0xb8;
	[tilespmem:$0xA080] =	vst v63  }
0x29: {  	s10 =	sadd.s32 $0xA00, s2;
	s11 =	simm.s32 $0x5080  }
0x2a: {  	[tilespmem:s11], [sflag:$0x1] =	stream.indirect_vreg.gather [hbm4b:s10+s4], $0x80, v0, vm0, $0xb8;
	[tilespmem:$0xA080] =	vst v63  }
0x2b: {  	s12 =	sadd.s32 $0xB00, s2;
	s13 =	simm.s32 $0x5880  }
0x2c: {  	[tilespmem:s13], [sflag:$0x1] =	stream.indirect_vreg.gather [hbm4b:s12+s4], $0x80, v0, vm0, $0xb8;
	[tilespmem:$0xA080] =	vst v63  }
0x2d: {  	s14 =	sadd.s32 $0xC00, s2;
	s15 =	simm.s32 $0x6080  }
0x2e: {  	[tilespmem:s15], [sflag:$0x1] =	stream.indirect_vreg.gather [hbm4b:s14+s4], $0x80, v0, vm0, $0xb8;
	[tilespmem:$0xA080] =	vst v63  }
0x2f: {  	s16 =	sadd.s32 $0xD00, s2;
	s17 =	simm.s32 $0x6880  }
0x30: {  	[tilespmem:s17], [sflag:$0x1] =	stream.indirect_vreg.gather [hbm4b:s16+s4], $0x80, v0, vm0, $0xb8;
	[tilespmem:$0xA080] =	vst v63  }
0x31: {  	s18 =	sadd.s32 $0xE00, s2;
	s19 =	simm.s32 $0x7080  }
0x32: {  	[tilespmem:s19], [sflag:$0x1] =	stream.indirect_vreg.gather [hbm4b:s18+s4], $0x80, v0, vm0, $0xb8;
	[tilespmem:$0xA080] =	vst v63  }
0x33: {  	s20 =	sadd.s32 $0xF00, s2;
	s21 =	simm.s32 $0x7880  }
0x34: {  	[tilespmem:s21], [sflag:$0x1] =	stream.indirect_vreg.gather [hbm4b:s20+s4], $0x80, v0, vm0, $0xb8;
	[tilespmem:$0xA080] =	vst v63  }
0x35: {  	s22 =	sadd.s32 $0x1000, s2;
	s23 =	simm.s32 $0x8080  }
0x36: {  	[tilespmem:s23], [sflag:$0x1] =	stream.indirect_vreg.gather [hbm4b:s22+s4], $0x80, v0, vm0, $0xb8;
	[tilespmem:$0xA080] =	vst v63  }
0x37: {  	s24 =	sadd.s32 $0x1100, s2;
	s25 =	simm.s32 $0x8880  }
0x38: {  	[tilespmem:s25], [sflag:$0x1] =	stream.indirect_vreg.gather [hbm4b:s24+s4], $0x80, v0, vm0, $0xb8;
	[tilespmem:$0xA080] =	vst v63  }
0x39: {  	s26 =	sadd.s32 $0x1200, s2;
	s28 =	simm.s32 $0x9080  }
0x3a: {  	[tilespmem:s28], [sflag:$0x1] =	stream.indirect_vreg.gather [hbm4b:s26+s4], $0x80, v0, vm0, $0xb8;
	[tilespmem:$0xA080] =	vst v63  }
0x3b: {  	s29 =	sadd.s32 $0x1300, s2;
	s30 =	simm.s32 $0x9880;
	s31 =	simm.s32 $0x1  }
0x3c: {  	[tilespmem:s30], [sflag:$0x1] =	stream.indirect_vreg.gather [hbm4b:s29+s4], $0x80, v0, vm0, $0xb8;
	[tilespmem:$0xA080] =	vst v63  }
0x3d: {  	_ =	swait.ge [sflag:s31], $0xA000  }
0x3e: {  	[sflag:s31] =	ssyncset.done $0x0  }
0x3f: {  	[sflag:s31] =	ssyncadd.s32 $0xFFFF6000  }
0x40: {  	[hbm4b:s1+s4] =	stream.linear.scatter [tilespmem:s5], [sflag:$0x2], $0xA000, $0x38;
	[tilespmem:$0xA080] =	vst v63  }
0x41: {  	_ =	swait.ge [sflag:s3], $0xA000  }
0x42: {  	[sflag:s3] =	ssyncset.done $0x0  }
0x43: {  	[sflag:s3] =	ssyncadd.s32 $0xFFFF6000  }
.LBB2_2:
0x44: {  	_ =	sfence.sel $0x180000  }
0x45: {  	[bflag:$0x0] =	sbarrier.arrive $0xFFFF  }
0x46: {  	_ =	strace $0x90000047  }
0x47: {  	s0 =	sadd.s32 @!p0 $0x100000, s0;
	[bflag:$0x2] =	sbarrier.arrive $0xFFFF  }
0x48: {  	[sflag:s0] =	ssyncadd.tile.s32 @!p0 $0x1;
	_ =	shalt  }
.Lfunc_end2:
_tile_overlayer_lowered:
.L_overlay_start_2:
0x49: {  	(tag) =	ssettag $0x2  }
0x4a: {  	s0 =	rddreg [dreg:$0x0];
	s2 =	stileid.u32  }
0x4b: {  	s1 =	rddreg [dreg:$0x1];
	p0 =	sne.s32 s2, $0x0  }
0x4c: {  	s3 =	rddreg [dreg:$0x2];
	[bflag:$0x3] =	sbarrier.arrive $0xFFFF;
	s2 =	simm.s32 @!p0 $0x1C02  }
0x4d: {  	[timem:s3], [sflag:s2] =	dma.local @!p0 [hbm:s0], s1  }
0x4e: {  	s0 =	simm.s32 @!p0 $0x2  }
0x4f: {  	_ =	swait.ge @!p0 [sflag:s0], s1  }
0x50: {  	s1 =	ssub.s32 @!p0 $0x0, s1;
	[sflag:s0] =	ssyncset.done @!p0 $0x0  }
0x51: {  	[sflag:s0] =	ssyncadd.s32 @!p0 s1  }
0x52: {  	[bflag:$0x3] =	sbarrier.arrive $0xFFFF  }
0x53: {  	_ =	shalt  }

</sc_bundles>
